<compile_context>
chip_gen: v7x
topology: tpu7x:2x2x1
jax: 0.10.2.dev20260603
libtpu: 0.0.44.dev20260713+nightly
codegen_flags: <defaults>
</compile_context>

<pallas_src>
import functools

import jax
import jax.numpy as jnp
from jax import lax
from jax.experimental import pallas as pl
from jax.experimental.pallas import tpu as pltpu
from jax.experimental.pallas import tpu_sc as plsc

N = 10000
E = 640000
B = 64
D = 16
R = 114
RATIO = 0.8
H = 16
L = 3

NC = 2
NS = 16
NW = NC * NS
KB = 128
NBT = 157
EWP = NBT * KB
EPAD = NW * EWP
NEG = -3.0e8


def _sc_edge_body(hw_hbm, pack_hbm, flag_hbm, qk_hbm, out_hbm,
                  flag_v, pack_b0, pack_b1, rows_s0, rows_s1, rows_d0, rows_d1,
                  out_v0, out_v1, sidx0, sidx1, qkv, zbuf, accum_sh,
                  gsem0a, gsem0b, gsem1a, gsem1b, psem0, psem1, ssem0, ssem1):
    c = lax.axis_index("c")
    s = lax.axis_index("s")
    wid = c * NS + s

    pltpu.sync_copy(flag_hbm, flag_v)
    pltpu.sync_copy(qk_hbm, qkv)

    zeros16 = jnp.zeros((16,), jnp.float32)

    def zz(i, _):
        zbuf[i, pl.ds(0, 16)] = zeros16
        zbuf[i, pl.ds(16, 16)] = zeros16
        return 0
    lax.fori_loop(0, 125, zz, 0)
    for i in range(5):
        pltpu.sync_copy(zbuf, accum_sh.at[pl.ds(s * 625 + i * 125, 125)])
    plsc.subcore_barrier()

    ebase0 = wid * EWP

    def mkedge(pack_b, rows_s, rows_d, out_v, b):
        def edge(e, _2):
            iot = lax.iota(jnp.int32, 16)
            row_s = rows_s[e, :]
            row_d = rows_d[e, :]
            xv = row_d * qkv[0, :] + row_s * qkv[1, :]
            for sh in (8, 4, 2, 1):
                xv = xv + xv.at[iot ^ sh].get(mode="promise_in_bounds")
            alv = jnp.maximum(xv, 0.2 * xv)
            sid = pack_b[3, pl.ds(e, 16)][0]
            did = pack_b[4, pl.ds(e, 16)][0]
            fs = flag_v[pl.ds(sid, 16)][0]
            fd = flag_v[pl.ds(did, 16)][0]
            el = b * KB + e
            alv = jnp.where((el < EWP) & (ebase0 + el < E),
                            alv + jnp.full((16,), fs + fd),
                            jnp.full((16,), NEG))
            wv = jnp.exp(alv)
            out_v[e, pl.ds(0, 16)] = row_s * wv
            out_v[e, pl.ds(16, 16)] = qkv[2, :] * wv
            return 0

        def edge2(i, _2):
            edge(2 * i, 0)
            edge(2 * i + 1, 0)
            return 0

        lax.fori_loop(0, KB // 2, edge2, 0)

    packs = (pack_b0, pack_b1)
    sidxs = (sidx0, sidx1)
    rowss = (rows_s0, rows_s1)
    rowsd = (rows_d0, rows_d1)
    outs = (out_v0, out_v1)
    gsems = ((gsem0a, gsem0b), (gsem1a, gsem1b))
    psems = (psem0, psem1)
    ssems = (ssem0, ssem1)

    pltpu.sync_copy(pack_hbm.at[wid, 0], packs[0])
    pltpu.async_copy(hw_hbm.at[packs[0].at[0]], rowss[0], gsems[0][0])
    pltpu.async_copy(hw_hbm.at[packs[0].at[1]], rowsd[0], gsems[0][1])
    pltpu.async_copy(pack_hbm.at[wid, 1], packs[1], psems[1])

    def pair(p, _):
        for par in (0, 1):
            b = 2 * p + par
            oth = 1 - par
            pltpu.make_async_copy(hw_hbm.at[packs[par].at[0]], rowss[par], gsems[par][0]).wait()
            pltpu.make_async_copy(hw_hbm.at[packs[par].at[1]], rowsd[par], gsems[par][1]).wait()
            pltpu.make_async_copy(pack_hbm.at[wid, b + 1], packs[oth], psems[oth]).wait()
            pltpu.async_copy(hw_hbm.at[packs[oth].at[0]], rowss[oth], gsems[oth][0])
            pltpu.async_copy(hw_hbm.at[packs[oth].at[1]], rowsd[oth], gsems[oth][1])
            @pl.when(b >= 2)
            def _():
                pltpu.make_async_copy(outs[par], accum_sh.at[sidxs[par]], ssems[par]).wait()
            mkedge(packs[par], rowss[par], rowsd[par], outs[par], b)
            for j in range(KB // 16):
                sidxs[par][pl.ds(j * 16, 16)] = packs[par][2, pl.ds(j * 16, 16)]
            pltpu.async_copy(outs[par], accum_sh.at[sidxs[par]], ssems[par], add=True)
            pltpu.async_copy(pack_hbm.at[wid, b + 2], packs[par], psems[par])
        return 0

    lax.fori_loop(0, (NBT + 1) // 2, pair, 0)
    for par in (0, 1):
        pltpu.make_async_copy(outs[par], accum_sh.at[sidxs[par]], ssems[par]).wait()
    pltpu.make_async_copy(pack_hbm.at[wid, 0], packs[1], psems[1]).wait()
    pltpu.make_async_copy(hw_hbm.at[packs[0].at[0]], rowss[0], gsems[0][0]).wait()
    pltpu.make_async_copy(hw_hbm.at[packs[0].at[1]], rowsd[0], gsems[0][1]).wait()
    plsc.subcore_barrier()

    @pl.when(s == 0)
    def _():
        pltpu.sync_copy(accum_sh, out_hbm.at[c])


@functools.partial(jax.jit, static_argnums=())
def _sc_edge(hw_flat, pack4, flag, qk):
    mesh = plsc.VectorSubcoreMesh(core_axis_name="c", subcore_axis_name="s")
    f = pl.kernel(
        _sc_edge_body,
        mesh=mesh,
        compiler_params=pltpu.CompilerParams(use_tc_tiling_on_sc=False),
        out_type=jax.ShapeDtypeStruct((NC, N, 32), jnp.float32),
        scratch_types=[
            pltpu.VMEM((N + 16,), jnp.float32),
            pltpu.VMEM((6, KB), jnp.int32),
            pltpu.VMEM((6, KB), jnp.int32),
            pltpu.VMEM((KB, D), jnp.float32),
            pltpu.VMEM((KB, D), jnp.float32),
            pltpu.VMEM((KB, D), jnp.float32),
            pltpu.VMEM((KB, D), jnp.float32),
            pltpu.VMEM((KB, 32), jnp.float32),
            pltpu.VMEM((KB, 32), jnp.float32),
            pltpu.VMEM((KB,), jnp.int32),
            pltpu.VMEM((KB,), jnp.int32),
            pltpu.VMEM((4, 16), jnp.float32),
            pltpu.VMEM((125, 32), jnp.float32),
            pltpu.VMEM_SHARED((N, 32), jnp.float32),
            pltpu.SemaphoreType.DMA,
            pltpu.SemaphoreType.DMA,
            pltpu.SemaphoreType.DMA,
            pltpu.SemaphoreType.DMA,
            pltpu.SemaphoreType.DMA,
            pltpu.SemaphoreType.DMA,
            pltpu.SemaphoreType.DMA,
            pltpu.SemaphoreType.DMA,
        ],
    )
    return f(hw_flat, pack4, flag, qk)


def _pad3(a):
    a = jnp.concatenate([a, jnp.zeros((EPAD - E,), a.dtype)])
    return a.reshape(NW, NBT, KB)


def _rgat_sc(h, pack4, flag, W, q, k, b):
    hw = jnp.einsum('nd,rdo->nro', h, W).reshape(N * R, D)
    e0 = jnp.zeros((D,), jnp.float32).at[0].set(1.0)
    qk = jnp.stack([q[:, 0], k[:, 0], e0, jnp.zeros((D,), jnp.float32)])
    flagp = jnp.concatenate([flag, jnp.zeros((16,), jnp.float32)])
    acc2 = _sc_edge(hw, pack4, flagp, qk)
    acc = acc2[0] + acc2[1]
    num = acc[:, :D]
    den = acc[:, D]
    den = jnp.where(den > 0, den, 1.0)
    return num / den[:, None] + b


def _head_body(ga_ref, wih_t_ref, whh_t_ref, bih_ref, bhh_ref,
               l1w_t_ref, l1b_ref, l2w_t_ref, l2b_ref, y_ref, outs_ref, gi_ref):
    gi_ref[...] = ga_ref[...] @ wih_t_ref[...] + bih_ref[...]
    whh_t = whh_t_ref[...]
    bhh = bhh_ref[...]

    def step(t, h):
        gi = gi_ref[pl.ds(t, 1), :]
        gh = h @ whh_t + bhh
        ir, iz, inn = gi[:, :H], gi[:, H:2 * H], gi[:, 2 * H:]
        hr, hz, hn = gh[:, :H], gh[:, H:2 * H], gh[:, 2 * H:]
        r = jax.nn.sigmoid(ir + hr)
        z = jax.nn.sigmoid(iz + hz)
        n = jnp.tanh(inn + r * hn)
        hnew = (1.0 - z) * n + z * h
        outs_ref[pl.ds(t, 1), :] = hnew
        return hnew

    jax.lax.fori_loop(0, B, step, jnp.zeros((1, H), jnp.float32))
    outs = outs_ref[...]
    y1 = jax.nn.relu(outs @ l1w_t_ref[...] + l1b_ref[...])
    y2 = jax.nn.relu(y1 @ l2w_t_ref[...] + l2b_ref[...])
    y_ref[...] = y2


def _head(ga, gru_wih, gru_whh, gru_bih, gru_bhh, lin1_w, lin1_b, lin2_w, lin2_b):
    return pl.pallas_call(
        _head_body,
        out_shape=jax.ShapeDtypeStruct((B, 1), jnp.float32),
        scratch_shapes=[pltpu.VMEM((B, H), jnp.float32),
                        pltpu.VMEM((B, 3 * H), jnp.float32)],
    )(ga, gru_wih.T, gru_whh.T, gru_bih[None, :], gru_bhh[None, :],
      lin1_w.T, lin1_b[None, :], lin2_w.T, lin2_b[None, :])


def _pool(h, w, seq, n_alive, src, dst, starts):
    score = jnp.tanh((h @ w) / jnp.linalg.norm(w))
    mscore = jnp.where(n_alive, score, -3e38)
    idx = jnp.arange(N)
    ahead = (mscore[None, :] > mscore[:, None]) | (
        (mscore[None, :] == mscore[:, None]) & (idx[None, :] < idx[:, None]))
    rank = jnp.sum((seq[None, :] == seq[:, None]) & ahead, axis=1).astype(jnp.int32)
    cnt = jnp.sum((seq[None, :] == jnp.arange(B, dtype=seq.dtype)[:, None])
                  & n_alive[None, :], axis=1).astype(jnp.float32)
    kg = jnp.ceil(RATIO * cnt).astype(jnp.int32)
    keep = n_alive & (rank < kg[seq])
    h2 = jnp.where(keep[:, None], h * score[:, None], 0.0)
    return h2, keep


def kernel(x, edge_index, edge_attr, seq, emb, rgat_W, rgat_q, rgat_k, rgat_b,
           pool_w, gru_wih, gru_whh, gru_bih, gru_bhh, lin1_w, lin1_b, lin2_w, lin2_b):
    src = edge_index[0]
    dst = edge_index[1]
    etype = edge_attr[:, 0]
    idxs3 = _pad3(src * R + etype)
    idxd3 = _pad3(dst * R + etype)
    src3 = _pad3(src)
    dst3 = _pad3(dst)
    pack4 = jnp.stack([idxs3, idxd3, dst3, src3, dst3, dst3], axis=2)
    pack4 = jnp.pad(pack4, ((0, 0), (0, 3), (0, 0), (0, 0)))
    h = emb[x[:, 0]]
    n_alive = jnp.ones((N,), dtype=bool)
    flag = jnp.zeros((N,), jnp.float32)
    counts_all = jnp.bincount(seq, length=B)
    starts = jnp.concatenate([jnp.zeros((1,), counts_all.dtype), jnp.cumsum(counts_all)[:-1]])
    feats = []
    for l in range(L):
        h = jax.nn.relu(_rgat_sc(h, pack4, flag,
                                 rgat_W[l], rgat_q[l], rgat_k[l], rgat_b[l]))
        am = (seq[None, :] == jnp.arange(B, dtype=seq.dtype)[:, None]) & n_alive[None, :]
        amf = am.astype(jnp.float32)
        cnt = jnp.sum(amf, axis=1)
        mean_g = (amf @ h) / jnp.maximum(cnt, 1.0)[:, None]
        mx = jnp.max(jnp.where(am[:, :, None], h[None], -jnp.inf), axis=1)
        max_g = jnp.where(jnp.isfinite(mx), mx, 0.0)
        feats.append(mean_g)
        feats.append(max_g)
        if l < L - 1:
            h, keep = _pool(h, pool_w[l], seq, n_alive, src, dst, starts)
            n_alive = keep
            flag = jnp.where(keep, 0.0, NEG).astype(jnp.float32)
    ga = jnp.concatenate(feats, axis=1)
    return _head(ga, gru_wih, gru_whh, gru_bih, gru_bhh, lin1_w, lin1_b, lin2_w, lin2_b)

# --- scband reference (transcript-rebuilt; emitter-appended) ---
"""Pipeline reference for scband-detect-model-56126632624642 (READ-ONLY COPY).

The authoritative reference and input builder live on the scoring server;
editing this copy changes nothing except your own understanding.
"""

import jax, jax.numpy as jnp
import numpy as np

N = 10000
E = 640000
B = 64
D = 16
R = 114
NATTR = 10
RATIO = 0.8
H = 16
L = 3


def setup_inputs(seed=0):
    key = jax.random.key(seed)
    ks = jax.random.split(key, 24)

    def nrm(k, shp, s=0.1):
        return jax.random.normal(k, shp, dtype=jnp.float32) * s

    inp = {}
    inp["x"] = jax.random.randint(ks[0], (N, 1), 0, NATTR, dtype=jnp.int32)
    inp["edge_index"] = jax.random.randint(ks[1], (2, E), 0, N, dtype=jnp.int32)
    inp["edge_attr"] = jax.random.randint(ks[2], (E, 1), 0, R, dtype=jnp.int32)
    inp["seq"] = jnp.sort(jax.random.randint(ks[3], (N,), 0, B, dtype=jnp.int32))
    inp["emb"] = nrm(ks[4], (NATTR, D), 1.0)
    inp["rgat_W"] = nrm(ks[5], (L, R, D, D))
    inp["rgat_q"] = nrm(ks[6], (L, D, 1))
    inp["rgat_k"] = nrm(ks[7], (L, D, 1))
    inp["rgat_b"] = nrm(ks[8], (L, D))
    inp["pool_w"] = nrm(ks[9], (L - 1, D), 1.0)
    inp["gru_wih"] = nrm(ks[10], (3 * H, D * L * 2))
    inp["gru_whh"] = nrm(ks[11], (3 * H, H))
    inp["gru_bih"] = nrm(ks[12], (3 * H,))
    inp["gru_bhh"] = nrm(ks[13], (3 * H,))
    inp["lin1_w"] = nrm(ks[14], (4, H))
    inp["lin1_b"] = nrm(ks[15], (4,))
    inp["lin2_w"] = nrm(ks[16], (1, 4))
    inp["lin2_b"] = nrm(ks[17], (1,))
    return inp


def _rgat(h, src, dst, etype, e_alive, W, q, k, b):
    # RGATConv, heads=1, dim=1, additive-self-attention, across-relation softmax
    hw = jnp.einsum('nd,rdo->nro', h, W)            # per-relation transform of every node
    xi = hw[dst, etype]                              # [E, D] transformed target feats
    xj = hw[src, etype]                              # [E, D] transformed source feats
    alpha = jax.nn.leaky_relu(xi @ q + xj @ k, 0.2)  # [E, 1]
    alpha = jnp.where(e_alive[:, None], alpha, -jnp.inf)
    amax = jax.ops.segment_max(alpha, dst, num_segments=N)
    amax = jnp.where(jnp.isfinite(amax), amax, 0.0)
    ex = jnp.where(e_alive[:, None], jnp.exp(alpha - amax[dst]), 0.0)
    den = jax.ops.segment_sum(ex, dst, num_segments=N)
    den = jnp.where(den > 0, den, 1.0)
    out = jax.ops.segment_sum((ex / den[dst]) * xj, dst, num_segments=N)
    return out + b


def _pool(h, w, seq, n_alive, src, dst, e_alive, starts):
    # TopKPooling(ratio=0.8), mask-based (equivalent to index-select + relabel)
    score = jnp.tanh((h @ w) / jnp.linalg.norm(w))
    mscore = jnp.where(n_alive, score, -jnp.inf)
    order = jnp.lexsort((-mscore, seq))              # graph-major, score descending
    ranks_sorted = (jnp.arange(N) - starts[seq[order]]).astype(jnp.int32)
    rank = jnp.zeros((N,), dtype=jnp.int32).at[order].set(ranks_sorted)
    cnt = jax.ops.segment_sum(n_alive.astype(jnp.float32), seq, num_segments=B)
    kg = jnp.ceil(RATIO * cnt).astype(jnp.int32)
    keep = n_alive & (rank < kg[seq])
    h2 = jnp.where(keep[:, None], h * score[:, None], 0.0)
    e2 = e_alive & keep[src] & keep[dst]
    return h2, keep, e2


def _gru(xs, Wih, Whh, bih, bhh):
    def step(hprev, xt):
        gi = Wih @ xt + bih
        gh = Whh @ hprev + bhh
        ir, iz, inn = jnp.split(gi, 3)
        hr, hz, hn = jnp.split(gh, 3)
        r = jax.nn.sigmoid(ir + hr)
        z = jax.nn.sigmoid(iz + hz)
        n = jnp.tanh(inn + r * hn)
        hnew = (1.0 - z) * n + z * hprev
        return hnew, hnew
    _, outs = jax.lax.scan(step, jnp.zeros((H,), dtype=xs.dtype), xs)
    return outs


def _forward(x, edge_index, edge_attr, seq, emb, rgat_W, rgat_q, rgat_k, rgat_b,
             pool_w, gru_wih, gru_whh, gru_bih, gru_bhh, lin1_w, lin1_b, lin2_w, lin2_b):
    src = edge_index[0]
    dst = edge_index[1]
    etype = edge_attr[:, 0]
    h = emb[x[:, 0]]
    n_alive = jnp.ones((N,), dtype=bool)
    e_alive = jnp.ones((E,), dtype=bool)
    counts_all = jnp.bincount(seq, length=B)
    starts = jnp.concatenate([jnp.zeros((1,), counts_all.dtype), jnp.cumsum(counts_all)[:-1]])
    feats = []
    for l in range(L):
        h = jax.nn.relu(_rgat(h, src, dst, etype, e_alive, rgat_W[l], rgat_q[l], rgat_k[l], rgat_b[l]))
        cnt = jax.ops.segment_sum(n_alive.astype(jnp.float32), seq, num_segments=B)
        mean_g = jax.ops.segment_sum(jnp.where(n_alive[:, None], h, 0.0), seq, num_segments=B) / jnp.maximum(cnt, 1.0)[:, None]
        mx = jax.ops.segment_max(jnp.where(n_alive[:, None], h, -jnp.inf), seq, num_segments=B)
        max_g = jnp.where(jnp.isfinite(mx), mx, 0.0)
        feats.append(mean_g)
        feats.append(max_g)
        if l < L - 1:
            h, n_alive, e_alive = _pool(h, pool_w[l], seq, n_alive, src, dst, e_alive, starts)
    ga = jnp.concatenate(feats, axis=1)              # [B, 96]
    outs = _gru(ga, gru_wih, gru_whh, gru_bih, gru_bhh)  # [B, 16]
    y = jax.nn.relu(outs @ lin1_w.T + lin1_b)
    y = jax.nn.relu(y @ lin2_w.T + lin2_b)
    return y


def reference(x, edge_index, edge_attr, seq, emb, rgat_W, rgat_q, rgat_k, rgat_b,
              pool_w, gru_wih, gru_whh, gru_bih, gru_bhh, lin1_w, lin1_b, lin2_w, lin2_b):
    return _forward(x=x, edge_index=edge_index, edge_attr=edge_attr, seq=seq, emb=emb,
                    rgat_W=rgat_W, rgat_q=rgat_q, rgat_k=rgat_k, rgat_b=rgat_b,
                    pool_w=pool_w, gru_wih=gru_wih, gru_whh=gru_whh, gru_bih=gru_bih,
                    gru_bhh=gru_bhh, lin1_w=lin1_w, lin1_b=lin1_b, lin2_w=lin2_w, lin2_b=lin2_b)


if False:  # reference __main__ guard neutralized (emitter)
    out = reference(**setup_inputs())
    print(out.shape, out.dtype)

if __name__ == "__main__":
    import jax
    _d = setup_inputs()
    print(jax.jit(kernel)(*tuple(_d.values())))

</pallas_src>

<mosaic_0001>
#map = affine_map<(d0, d1) -> (0, 0)>
#map1 = affine_map<(d0, d1) -> (0, 0, 0, 0)>
#map2 = affine_map<(d0, d1) -> (0)>
#map3 = affine_map<(d0, d1) -> (0, 0, 0)>
module attributes {stable_mosaic.version = 14 : i64} {
  func.func @_sc_edge_body(%arg0: i32, %arg1: i32, %arg2: memref<1140000x16xf32, #tpu.memory_space<hbm>>, %arg3: memref<32x160x6x128xi32, #tpu.memory_space<hbm>>, %arg4: memref<10016xf32, #tpu.memory_space<hbm>>, %arg5: memref<4x16xf32, #tpu.memory_space<hbm>>, %arg6: memref<2x10000x32xf32, #tpu.memory_space<hbm>>, %arg7: memref<10016xf32, #tpu.memory_space<vmem>>, %arg8: memref<6x128xi32, #tpu.memory_space<vmem>>, %arg9: memref<6x128xi32, #tpu.memory_space<vmem>>, %arg10: memref<128x16xf32, #tpu.memory_space<vmem>>, %arg11: memref<128x16xf32, #tpu.memory_space<vmem>>, %arg12: memref<128x16xf32, #tpu.memory_space<vmem>>, %arg13: memref<128x16xf32, #tpu.memory_space<vmem>>, %arg14: memref<128x32xf32, #tpu.memory_space<vmem>>, %arg15: memref<128x32xf32, #tpu.memory_space<vmem>>, %arg16: memref<128xi32, #tpu.memory_space<vmem>>, %arg17: memref<128xi32, #tpu.memory_space<vmem>>, %arg18: memref<4x16xf32, #tpu.memory_space<vmem>>, %arg19: memref<125x32xf32, #tpu.memory_space<vmem>>, %arg20: memref<10000x32xf32, #tpu.memory_space<vmem_shared>>, %arg21: memref<!tpu.dma_semaphore, #tpu.memory_space<semaphore_mem>>, %arg22: memref<!tpu.dma_semaphore, #tpu.memory_space<semaphore_mem>>, %arg23: memref<!tpu.dma_semaphore, #tpu.memory_space<semaphore_mem>>, %arg24: memref<!tpu.dma_semaphore, #tpu.memory_space<semaphore_mem>>, %arg25: memref<!tpu.dma_semaphore, #tpu.memory_space<semaphore_mem>>, %arg26: memref<!tpu.dma_semaphore, #tpu.memory_space<semaphore_mem>>, %arg27: memref<!tpu.dma_semaphore, #tpu.memory_space<semaphore_mem>>, %arg28: memref<!tpu.dma_semaphore, #tpu.memory_space<semaphore_mem>>) attributes {dimension_semantics = [#tpu.dimension_semantics<core_parallel>, #tpu.dimension_semantics<subcore_parallel>], iteration_bounds = array<i64: 2, 16>, scalar_prefetch = 0 : i64, scratch_operands = 22 : i64, tpu.core_type = #tpu.core_type<sc_vector_subcore>, window_params = [{transform_indices = #map}, {transform_indices = #map1}, {transform_indices = #map2}, {transform_indices = #map}, {transform_indices = #map3}]} {
    %mul3A = arith.constant 16 : i32
    %mul3A_0 = arith.muli %arg0, %mul3A : i32
    %add3A = arith.addi %mul3A_0, %arg1 : i32
    "tpu.region"() ({
      %run_scoped3A_90 = tpu.sem_alloc : memref<!tpu.dma_semaphore, #tpu.memory_space<semaphore_mem>>
      tpu.enqueue_dma source(%arg4 : memref<10016xf32, #tpu.memory_space<hbm>>) target(%arg7 : memref<10016xf32, #tpu.memory_space<vmem>>) target_semaphore(%run_scoped3A_90 : memref<!tpu.dma_semaphore, #tpu.memory_space<semaphore_mem>>)
      tpu.wait_dma2 semaphore(%run_scoped3A_90 : memref<!tpu.dma_semaphore, #tpu.memory_space<semaphore_mem>>) src(%arg4 : memref<10016xf32, #tpu.memory_space<hbm>>) dst(%arg7 : memref<10016xf32, #tpu.memory_space<vmem>>)
      tpu.yield
    }) : () -> ()
    "tpu.region"() ({
      %run_scoped3A_90 = tpu.sem_alloc : memref<!tpu.dma_semaphore, #tpu.memory_space<semaphore_mem>>
      tpu.enqueue_dma source(%arg5 : memref<4x16xf32, #tpu.memory_space<hbm>>) target(%arg18 : memref<4x16xf32, #tpu.memory_space<vmem>>) target_semaphore(%run_scoped3A_90 : memref<!tpu.dma_semaphore, #tpu.memory_space<semaphore_mem>>)
      tpu.wait_dma2 semaphore(%run_scoped3A_90 : memref<!tpu.dma_semaphore, #tpu.memory_space<semaphore_mem>>) src(%arg5 : memref<4x16xf32, #tpu.memory_space<hbm>>) dst(%arg18 : memref<4x16xf32, #tpu.memory_space<vmem>>)
      tpu.yield
    }) : () -> ()
    %broadcast_in_dim3A = arith.constant 0.000000e+00 : f32
    %broadcast_in_dim3A_1 = vector.broadcast %broadcast_in_dim3A : f32 to vector<16xf32>
    %scan3A = arith.constant 0 : i32
    %scan3A_2 = arith.constant 0 : i32
    %scan3A_3 = arith.constant 125 : i32
    %scan3A_4 = arith.addi %scan3A_2, %scan3A_3 : i32
    %scan3A_5 = arith.constant 1 : i32
    %scan3A_6 = scf.for %scan3A_90 = %scan3A_2 to %scan3A_4 step %scan3A_5 iter_args(%scan3A_91 = %scan3A) -> (i32)  : i32 {
      %swap3A = arith.index_cast %scan3A_90 : i32 to index
      %swap3A_92 = arith.constant 0 : index
      %swap3A_93 = tpu.vector_load %arg19[%swap3A, %swap3A_92] {strides = array<i32>} : memref<125x32xf32, #tpu.memory_space<vmem>>, vector<1x16xf32>,
      %swap3A_94 = vector.shape_cast %swap3A_93 : vector<1x16xf32> to vector<16xf32>
      %swap3A_95 = vector.shape_cast %broadcast_in_dim3A_1 : vector<16xf32> to vector<1x16xf32>
      tpu.vector_store %arg19[%swap3A, %swap3A_92], %swap3A_95 {strides = array<i32>} : memref<125x32xf32, #tpu.memory_space<vmem>>, vector<1x16xf32>,
      %swap3A_96 = arith.index_cast %scan3A_90 : i32 to index
      %swap3A_97 = arith.constant 16 : index
      %swap3A_98 = tpu.vector_load %arg19[%swap3A_96, %swap3A_97] {strides = array<i32>} : memref<125x32xf32, #tpu.memory_space<vmem>>, vector<1x16xf32>,
      %swap3A_99 = vector.shape_cast %swap3A_98 : vector<1x16xf32> to vector<16xf32>
      %swap3A_100 = vector.shape_cast %broadcast_in_dim3A_1 : vector<16xf32> to vector<1x16xf32>
      tpu.vector_store %arg19[%swap3A_96, %swap3A_97], %swap3A_100 {strides = array<i32>} : memref<125x32xf32, #tpu.memory_space<vmem>>, vector<1x16xf32>,
      %scan3A_101 = arith.constant 0 : i32
      scf.yield %scan3A_101 : i32
    }
    %scan3A_7 = arith.constant 125 : i32
    %mul3A_8 = arith.constant 625 : i32
    %mul3A_9 = arith.muli %arg1, %mul3A_8 : i32
    %add3A_10 = arith.constant 0 : i32
    %add3A_11 = arith.addi %mul3A_9, %add3A_10 : i32
    "tpu.region"() ({
      %run_scoped3A_90 = tpu.sem_alloc : memref<!tpu.dma_semaphore, #tpu.memory_space<semaphore_mem>>
      %dma_start3A_91 = arith.constant 0 : i32
      %dma_start3A_92 = tpu.memref_slice %arg20[%add3A_11, %dma_start3A_91] : memref<10000x32xf32, #tpu.memory_space<vmem_shared>> -> memref<125x32xf32, #tpu.memory_space<vmem_shared>>
      %dma_start3A_93 = arith.constant 0 : i32
      %dma_start3A_94 = tpu.memref_slice %arg20[%add3A_11, %dma_start3A_93] : memref<10000x32xf32, #tpu.memory_space<vmem_shared>> -> memref<125x32xf32, #tpu.memory_space<vmem_shared>>
      tpu.enqueue_dma source(%arg19 : memref<125x32xf32, #tpu.memory_space<vmem>>) target(%dma_start3A_94 : memref<125x32xf32, #tpu.memory_space<vmem_shared>>) target_semaphore(%run_scoped3A_90 : memref<!tpu.dma_semaphore, #tpu.memory_space<semaphore_mem>>)
      %dma_wait3A_95 = arith.constant 0 : i32
      %dma_wait3A_96 = tpu.memref_slice %arg20[%add3A_11, %dma_wait3A_95] : memref<10000x32xf32, #tpu.memory_space<vmem_shared>> -> memref<125x32xf32, #tpu.memory_space<vmem_shared>>
      %dma_wait3A_97 = arith.constant 0 : i32
      %dma_wait3A_98 = tpu.memref_slice %arg20[%add3A_11, %dma_wait3A_97] : memref<10000x32xf32, #tpu.memory_space<vmem_shared>> -> memref<125x32xf32, #tpu.memory_space<vmem_shared>>
      tpu.wait_dma2 semaphore(%run_scoped3A_90 : memref<!tpu.dma_semaphore, #tpu.memory_space<semaphore_mem>>) src(%arg19 : memref<125x32xf32, #tpu.memory_space<vmem>>) dst(%dma_wait3A_98 : memref<125x32xf32, #tpu.memory_space<vmem_shared>>)
      tpu.yield
    }) : () -> ()
    %mul3A_12 = arith.constant 625 : i32
    %mul3A_13 = arith.muli %arg1, %mul3A_12 : i32
    %add3A_14 = arith.constant 125 : i32
    %add3A_15 = arith.addi %mul3A_13, %add3A_14 : i32
    "tpu.region"() ({
      %run_scoped3A_90 = tpu.sem_alloc : memref<!tpu.dma_semaphore, #tpu.memory_space<semaphore_mem>>
      %dma_start3A_91 = arith.constant 0 : i32
      %dma_start3A_92 = tpu.memref_slice %arg20[%add3A_15, %dma_start3A_91] : memref<10000x32xf32, #tpu.memory_space<vmem_shared>> -> memref<125x32xf32, #tpu.memory_space<vmem_shared>>
      %dma_start3A_93 = arith.constant 0 : i32
      %dma_start3A_94 = tpu.memref_slice %arg20[%add3A_15, %dma_start3A_93] : memref<10000x32xf32, #tpu.memory_space<vmem_shared>> -> memref<125x32xf32, #tpu.memory_space<vmem_shared>>
      tpu.enqueue_dma source(%arg19 : memref<125x32xf32, #tpu.memory_space<vmem>>) target(%dma_start3A_94 : memref<125x32xf32, #tpu.memory_space<vmem_shared>>) target_semaphore(%run_scoped3A_90 : memref<!tpu.dma_semaphore, #tpu.memory_space<semaphore_mem>>)
      %dma_wait3A_95 = arith.constant 0 : i32
      %dma_wait3A_96 = tpu.memref_slice %arg20[%add3A_15, %dma_wait3A_95] : memref<10000x32xf32, #tpu.memory_space<vmem_shared>> -> memref<125x32xf32, #tpu.memory_space<vmem_shared>>
      %dma_wait3A_97 = arith.constant 0 : i32
      %dma_wait3A_98 = tpu.memref_slice %arg20[%add3A_15, %dma_wait3A_97] : memref<10000x32xf32, #tpu.memory_space<vmem_shared>> -> memref<125x32xf32, #tpu.memory_space<vmem_shared>>
      tpu.wait_dma2 semaphore(%run_scoped3A_90 : memref<!tpu.dma_semaphore, #tpu.memory_space<semaphore_mem>>) src(%arg19 : memref<125x32xf32, #tpu.memory_space<vmem>>) dst(%dma_wait3A_98 : memref<125x32xf32, #tpu.memory_space<vmem_shared>>)
      tpu.yield
    }) : () -> ()
    %mul3A_16 = arith.constant 625 : i32
    %mul3A_17 = arith.muli %arg1, %mul3A_16 : i32
    %add3A_18 = arith.constant 250 : i32
    %add3A_19 = arith.addi %mul3A_17, %add3A_18 : i32
    "tpu.region"() ({
      %run_scoped3A_90 = tpu.sem_alloc : memref<!tpu.dma_semaphore, #tpu.memory_space<semaphore_mem>>
      %dma_start3A_91 = arith.constant 0 : i32
      %dma_start3A_92 = tpu.memref_slice %arg20[%add3A_19, %dma_start3A_91] : memref<10000x32xf32, #tpu.memory_space<vmem_shared>> -> memref<125x32xf32, #tpu.memory_space<vmem_shared>>
      %dma_start3A_93 = arith.constant 0 : i32
      %dma_start3A_94 = tpu.memref_slice %arg20[%add3A_19, %dma_start3A_93] : memref<10000x32xf32, #tpu.memory_space<vmem_shared>> -> memref<125x32xf32, #tpu.memory_space<vmem_shared>>
      tpu.enqueue_dma source(%arg19 : memref<125x32xf32, #tpu.memory_space<vmem>>) target(%dma_start3A_94 : memref<125x32xf32, #tpu.memory_space<vmem_shared>>) target_semaphore(%run_scoped3A_90 : memref<!tpu.dma_semaphore, #tpu.memory_space<semaphore_mem>>)
      %dma_wait3A_95 = arith.constant 0 : i32
      %dma_wait3A_96 = tpu.memref_slice %arg20[%add3A_19, %dma_wait3A_95] : memref<10000x32xf32, #tpu.memory_space<vmem_shared>> -> memref<125x32xf32, #tpu.memory_space<vmem_shared>>
      %dma_wait3A_97 = arith.constant 0 : i32
      %dma_wait3A_98 = tpu.memref_slice %arg20[%add3A_19, %dma_wait3A_97] : memref<10000x32xf32, #tpu.memory_space<vmem_shared>> -> memref<125x32xf32, #tpu.memory_space<vmem_shared>>
      tpu.wait_dma2 semaphore(%run_scoped3A_90 : memref<!tpu.dma_semaphore, #tpu.memory_space<semaphore_mem>>) src(%arg19 : memref<125x32xf32, #tpu.memory_space<vmem>>) dst(%dma_wait3A_98 : memref<125x32xf32, #tpu.memory_space<vmem_shared>>)
      tpu.yield
    }) : () -> ()
    %mul3A_20 = arith.constant 625 : i32
    %mul3A_21 = arith.muli %arg1, %mul3A_20 : i32
    %add3A_22 = arith.constant 375 : i32
    %add3A_23 = arith.addi %mul3A_21, %add3A_22 : i32
    "tpu.region"() ({
      %run_scoped3A_90 = tpu.sem_alloc : memref<!tpu.dma_semaphore, #tpu.memory_space<semaphore_mem>>
      %dma_start3A_91 = arith.constant 0 : i32
      %dma_start3A_92 = tpu.memref_slice %arg20[%add3A_23, %dma_start3A_91] : memref<10000x32xf32, #tpu.memory_space<vmem_shared>> -> memref<125x32xf32, #tpu.memory_space<vmem_shared>>
      %dma_start3A_93 = arith.constant 0 : i32
      %dma_start3A_94 = tpu.memref_slice %arg20[%add3A_23, %dma_start3A_93] : memref<10000x32xf32, #tpu.memory_space<vmem_shared>> -> memref<125x32xf32, #tpu.memory_space<vmem_shared>>
      tpu.enqueue_dma source(%arg19 : memref<125x32xf32, #tpu.memory_space<vmem>>) target(%dma_start3A_94 : memref<125x32xf32, #tpu.memory_space<vmem_shared>>) target_semaphore(%run_scoped3A_90 : memref<!tpu.dma_semaphore, #tpu.memory_space<semaphore_mem>>)
      %dma_wait3A_95 = arith.constant 0 : i32
      %dma_wait3A_96 = tpu.memref_slice %arg20[%add3A_23, %dma_wait3A_95] : memref<10000x32xf32, #tpu.memory_space<vmem_shared>> -> memref<125x32xf32, #tpu.memory_space<vmem_shared>>
      %dma_wait3A_97 = arith.constant 0 : i32
      %dma_wait3A_98 = tpu.memref_slice %arg20[%add3A_23, %dma_wait3A_97] : memref<10000x32xf32, #tpu.memory_space<vmem_shared>> -> memref<125x32xf32, #tpu.memory_space<vmem_shared>>
      tpu.wait_dma2 semaphore(%run_scoped3A_90 : memref<!tpu.dma_semaphore, #tpu.memory_space<semaphore_mem>>) src(%arg19 : memref<125x32xf32, #tpu.memory_space<vmem>>) dst(%dma_wait3A_98 : memref<125x32xf32, #tpu.memory_space<vmem_shared>>)
      tpu.yield
    }) : () -> ()
    %mul3A_24 = arith.constant 625 : i32
    %mul3A_25 = arith.muli %arg1, %mul3A_24 : i32
    %add3A_26 = arith.constant 500 : i32
    %add3A_27 = arith.addi %mul3A_25, %add3A_26 : i32
    "tpu.region"() ({
      %run_scoped3A_90 = tpu.sem_alloc : memref<!tpu.dma_semaphore, #tpu.memory_space<semaphore_mem>>
      %dma_start3A_91 = arith.constant 0 : i32
      %dma_start3A_92 = tpu.memref_slice %arg20[%add3A_27, %dma_start3A_91] : memref<10000x32xf32, #tpu.memory_space<vmem_shared>> -> memref<125x32xf32, #tpu.memory_space<vmem_shared>>
      %dma_start3A_93 = arith.constant 0 : i32
      %dma_start3A_94 = tpu.memref_slice %arg20[%add3A_27, %dma_start3A_93] : memref<10000x32xf32, #tpu.memory_space<vmem_shared>> -> memref<125x32xf32, #tpu.memory_space<vmem_shared>>
      tpu.enqueue_dma source(%arg19 : memref<125x32xf32, #tpu.memory_space<vmem>>) target(%dma_start3A_94 : memref<125x32xf32, #tpu.memory_space<vmem_shared>>) target_semaphore(%run_scoped3A_90 : memref<!tpu.dma_semaphore, #tpu.memory_space<semaphore_mem>>)
      %dma_wait3A_95 = arith.constant 0 : i32
      %dma_wait3A_96 = tpu.memref_slice %arg20[%add3A_27, %dma_wait3A_95] : memref<10000x32xf32, #tpu.memory_space<vmem_shared>> -> memref<125x32xf32, #tpu.memory_space<vmem_shared>>
      %dma_wait3A_97 = arith.constant 0 : i32
      %dma_wait3A_98 = tpu.memref_slice %arg20[%add3A_27, %dma_wait3A_97] : memref<10000x32xf32, #tpu.memory_space<vmem_shared>> -> memref<125x32xf32, #tpu.memory_space<vmem_shared>>
      tpu.wait_dma2 semaphore(%run_scoped3A_90 : memref<!tpu.dma_semaphore, #tpu.memory_space<semaphore_mem>>) src(%arg19 : memref<125x32xf32, #tpu.memory_space<vmem>>) dst(%dma_wait3A_98 : memref<125x32xf32, #tpu.memory_space<vmem_shared>>)
      tpu.yield
    }) : () -> ()
    %barrier3A = arith.constant 0 : index
    tpu.barrier barrier_id(%barrier3A)
    %mul3A_28 = arith.constant 20096 : i32
    %mul3A_29 = arith.muli %add3A, %mul3A_28 : i32
    %run_scoped3A = arith.constant 0 : i32
    "tpu.region"() ({
      %run_scoped3A_90 = tpu.sem_alloc : memref<!tpu.dma_semaphore, #tpu.memory_space<semaphore_mem>>
      %dma_start3A_91 = arith.constant 0 : i32
      %dma_start3A_92 = arith.constant 0 : i32
      %dma_start3A_93 = tpu.memref_slice %arg3[%add3A, %run_scoped3A, %dma_start3A_91, %dma_start3A_92] : memref<32x160x6x128xi32, #tpu.memory_space<hbm>> -> memref<1x1x6x128xi32, #tpu.memory_space<hbm>>
      %dma_start3A_94 = tpu.memref_squeeze %dma_start3A_93 : memref<1x1x6x128xi32, #tpu.memory_space<hbm>> -> memref<6x128xi32, #tpu.memory_space<hbm>>
      %dma_start3A_95 = arith.constant 0 : i32
      %dma_start3A_96 = arith.constant 0 : i32
      %dma_start3A_97 = tpu.memref_slice %arg3[%add3A, %run_scoped3A, %dma_start3A_95, %dma_start3A_96] : memref<32x160x6x128xi32, #tpu.memory_space<hbm>> -> memref<1x1x6x128xi32, #tpu.memory_space<hbm>>
      %dma_start3A_98 = tpu.memref_squeeze %dma_start3A_97 : memref<1x1x6x128xi32, #tpu.memory_space<hbm>> -> memref<6x128xi32, #tpu.memory_space<hbm>>
      tpu.enqueue_dma source(%dma_start3A_98 : memref<6x128xi32, #tpu.memory_space<hbm>>) target(%arg8 : memref<6x128xi32, #tpu.memory_space<vmem>>) target_semaphore(%run_scoped3A_90 : memref<!tpu.dma_semaphore, #tpu.memory_space<semaphore_mem>>)
      %dma_wait3A_99 = arith.constant 0 : i32
      %dma_wait3A_100 = arith.constant 0 : i32
      %dma_wait3A_101 = tpu.memref_slice %arg3[%add3A, %run_scoped3A, %dma_wait3A_99, %dma_wait3A_100] : memref<32x160x6x128xi32, #tpu.memory_space<hbm>> -> memref<1x1x6x128xi32, #tpu.memory_space<hbm>>
      %dma_wait3A_102 = tpu.memref_squeeze %dma_wait3A_101 : memref<1x1x6x128xi32, #tpu.memory_space<hbm>> -> memref<6x128xi32, #tpu.memory_space<hbm>>
      %dma_wait3A_103 = arith.constant 0 : i32
      %dma_wait3A_104 = arith.constant 0 : i32
      %dma_wait3A_105 = tpu.memref_slice %arg3[%add3A, %run_scoped3A, %dma_wait3A_103, %dma_wait3A_104] : memref<32x160x6x128xi32, #tpu.memory_space<hbm>> -> memref<1x1x6x128xi32, #tpu.memory_space<hbm>>
      %dma_wait3A_106 = tpu.memref_squeeze %dma_wait3A_105 : memref<1x1x6x128xi32, #tpu.memory_space<hbm>> -> memref<6x128xi32, #tpu.memory_space<hbm>>
      tpu.wait_dma2 semaphore(%run_scoped3A_90 : memref<!tpu.dma_semaphore, #tpu.memory_space<semaphore_mem>>) src(%dma_wait3A_106 : memref<6x128xi32, #tpu.memory_space<hbm>>) dst(%arg8 : memref<6x128xi32, #tpu.memory_space<vmem>>)
      tpu.yield
    }) : () -> ()
    %dma_start3A = arith.constant 0 : i32
    %dma_start3A_30 = arith.constant 0 : i32
    %dma_start3A_31 = tpu.memref_slice %arg8[%dma_start3A, %dma_start3A_30] : memref<6x128xi32, #tpu.memory_space<vmem>> -> memref<1x128xi32, #tpu.memory_space<vmem>>
    %dma_start3A_32 = tpu.memref_squeeze %dma_start3A_31 : memref<1x128xi32, #tpu.memory_space<vmem>> -> memref<128xi32, #tpu.memory_space<vmem>>
    %dma_start3A_33 = arith.constant 0 : i32
    %dma_start3A_34 = arith.constant 0 : i32
    %dma_start3A_35 = tpu.memref_slice %arg2[%dma_start3A_33, %dma_start3A_34] : memref<1140000x16xf32, #tpu.memory_space<hbm>> -> memref<1140000x16xf32, #tpu.memory_space<hbm>>
    tpu.enqueue_indirect_dma source(%dma_start3A_35 : memref<1140000x16xf32, #tpu.memory_space<hbm>>) target(%arg10 : memref<128x16xf32, #tpu.memory_space<vmem>>) offsets(%dma_start3A_32 : memref<128xi32, #tpu.memory_space<vmem>>) semaphore(%arg21 : memref<!tpu.dma_semaphore, #tpu.memory_space<semaphore_mem>>)
    %dma_start3A_36 = arith.constant 1 : i32
    %dma_start3A_37 = arith.constant 0 : i32
    %dma_start3A_38 = tpu.memref_slice %arg8[%dma_start3A_36, %dma_start3A_37] : memref<6x128xi32, #tpu.memory_space<vmem>> -> memref<1x128xi32, #tpu.memory_space<vmem>>
    %dma_start3A_39 = tpu.memref_squeeze %dma_start3A_38 : memref<1x128xi32, #tpu.memory_space<vmem>> -> memref<128xi32, #tpu.memory_space<vmem>>
    %dma_start3A_40 = arith.constant 0 : i32
    %dma_start3A_41 = arith.constant 0 : i32
    %dma_start3A_42 = tpu.memref_slice %arg2[%dma_start3A_40, %dma_start3A_41] : memref<1140000x16xf32, #tpu.memory_space<hbm>> -> memref<1140000x16xf32, #tpu.memory_space<hbm>>
    tpu.enqueue_indirect_dma source(%dma_start3A_42 : memref<1140000x16xf32, #tpu.memory_space<hbm>>) target(%arg12 : memref<128x16xf32, #tpu.memory_space<vmem>>) offsets(%dma_start3A_39 : memref<128xi32, #tpu.memory_space<vmem>>) semaphore(%arg22 : memref<!tpu.dma_semaphore, #tpu.memory_space<semaphore_mem>>)
    %dma_start3A_43 = arith.constant 1 : i32
    %dma_start3A_44 = arith.constant 0 : i32
    %dma_start3A_45 = arith.constant 0 : i32
    %dma_start3A_46 = tpu.memref_slice %arg3[%add3A, %dma_start3A_43, %dma_start3A_44, %dma_start3A_45] : memref<32x160x6x128xi32, #tpu.memory_space<hbm>> -> memref<1x1x6x128xi32, #tpu.memory_space<hbm>>
    %dma_start3A_47 = tpu.memref_squeeze %dma_start3A_46 : memref<1x1x6x128xi32, #tpu.memory_space<hbm>> -> memref<6x128xi32, #tpu.memory_space<hbm>>
    %dma_start3A_48 = arith.constant 0 : i32
    %dma_start3A_49 = arith.constant 0 : i32
    %dma_start3A_50 = tpu.memref_slice %arg3[%add3A, %dma_start3A_43, %dma_start3A_48, %dma_start3A_49] : memref<32x160x6x128xi32, #tpu.memory_space<hbm>> -> memref<1x1x6x128xi32, #tpu.memory_space<hbm>>
    %dma_start3A_51 = tpu.memref_squeeze %dma_start3A_50 : memref<1x1x6x128xi32, #tpu.memory_space<hbm>> -> memref<6x128xi32, #tpu.memory_space<hbm>>
    tpu.enqueue_dma source(%dma_start3A_51 : memref<6x128xi32, #tpu.memory_space<hbm>>) target(%arg9 : memref<6x128xi32, #tpu.memory_space<vmem>>) target_semaphore(%arg26 : memref<!tpu.dma_semaphore, #tpu.memory_space<semaphore_mem>>)
    %scan3A_52 = arith.constant 0 : i32
    %scan3A_53 = arith.constant 0 : i32
    %scan3A_54 = arith.constant 79 : i32
    %scan3A_55 = arith.addi %scan3A_53, %scan3A_54 : i32
    %scan3A_56 = arith.constant 1 : i32
    %scan3A_57 = scf.for %scan3A_90 = %scan3A_53 to %scan3A_55 step %scan3A_56 iter_args(%scan3A_91 = %scan3A_52) -> (i32)  : i32 {
      %mul3A_92 = arith.constant 2 : i32
      %mul3A_93 = arith.muli %mul3A_92, %scan3A_90 : i32
      %add3A_94 = arith.constant 0 : i32
      %add3A_95 = arith.addi %mul3A_93, %add3A_94 : i32
      %dma_wait3A_96 = arith.constant 0 : i32
      %dma_wait3A_97 = arith.constant 0 : i32
      %dma_wait3A_98 = tpu.memref_slice %arg8[%dma_wait3A_96, %dma_wait3A_97] : memref<6x128xi32, #tpu.memory_space<vmem>> -> memref<1x128xi32, #tpu.memory_space<vmem>>
      %dma_wait3A_99 = tpu.memref_squeeze %dma_wait3A_98 : memref<1x128xi32, #tpu.memory_space<vmem>> -> memref<128xi32, #tpu.memory_space<vmem>>
      %dma_wait3A_100 = arith.constant 0 : i32
      %dma_wait3A_101 = arith.constant 0 : i32
      %dma_wait3A_102 = tpu.memref_slice %arg2[%dma_wait3A_100, %dma_wait3A_101] : memref<1140000x16xf32, #tpu.memory_space<hbm>> -> memref<1140000x16xf32, #tpu.memory_space<hbm>>
      tpu.wait_indirect_dma semaphore(%arg21 : memref<!tpu.dma_semaphore, #tpu.memory_space<semaphore_mem>>) src(%dma_wait3A_102 : memref<1140000x16xf32, #tpu.memory_space<hbm>>) dst(%arg10 : memref<128x16xf32, #tpu.memory_space<vmem>>)
      %dma_wait3A_103 = arith.constant 1 : i32
      %dma_wait3A_104 = arith.constant 0 : i32
      %dma_wait3A_105 = tpu.memref_slice %arg8[%dma_wait3A_103, %dma_wait3A_104] : memref<6x128xi32, #tpu.memory_space<vmem>> -> memref<1x128xi32, #tpu.memory_space<vmem>>
      %dma_wait3A_106 = tpu.memref_squeeze %dma_wait3A_105 : memref<1x128xi32, #tpu.memory_space<vmem>> -> memref<128xi32, #tpu.memory_space<vmem>>
      %dma_wait3A_107 = arith.constant 0 : i32
      %dma_wait3A_108 = arith.constant 0 : i32
      %dma_wait3A_109 = tpu.memref_slice %arg2[%dma_wait3A_107, %dma_wait3A_108] : memref<1140000x16xf32, #tpu.memory_space<hbm>> -> memref<1140000x16xf32, #tpu.memory_space<hbm>>
      tpu.wait_indirect_dma semaphore(%arg22 : memref<!tpu.dma_semaphore, #tpu.memory_space<semaphore_mem>>) src(%dma_wait3A_109 : memref<1140000x16xf32, #tpu.memory_space<hbm>>) dst(%arg12 : memref<128x16xf32, #tpu.memory_space<vmem>>)
      %add3A_110 = arith.constant 1 : i32
      %add3A_111 = arith.addi %add3A_95, %add3A_110 : i32
      %dma_wait3A_112 = arith.constant 0 : i32
      %dma_wait3A_113 = arith.constant 0 : i32
      %dma_wait3A_114 = tpu.memref_slice %arg3[%add3A, %add3A_111, %dma_wait3A_112, %dma_wait3A_113] : memref<32x160x6x128xi32, #tpu.memory_space<hbm>> -> memref<1x1x6x128xi32, #tpu.memory_space<hbm>>
      %dma_wait3A_115 = tpu.memref_squeeze %dma_wait3A_114 : memref<1x1x6x128xi32, #tpu.memory_space<hbm>> -> memref<6x128xi32, #tpu.memory_space<hbm>>
      %dma_wait3A_116 = arith.constant 0 : i32
      %dma_wait3A_117 = arith.constant 0 : i32
      %dma_wait3A_118 = tpu.memref_slice %arg3[%add3A, %add3A_111, %dma_wait3A_116, %dma_wait3A_117] : memref<32x160x6x128xi32, #tpu.memory_space<hbm>> -> memref<1x1x6x128xi32, #tpu.memory_space<hbm>>
      %dma_wait3A_119 = tpu.memref_squeeze %dma_wait3A_118 : memref<1x1x6x128xi32, #tpu.memory_space<hbm>> -> memref<6x128xi32, #tpu.memory_space<hbm>>
      tpu.wait_dma2 semaphore(%arg26 : memref<!tpu.dma_semaphore, #tpu.memory_space<semaphore_mem>>) src(%dma_wait3A_119 : memref<6x128xi32, #tpu.memory_space<hbm>>) dst(%arg9 : memref<6x128xi32, #tpu.memory_space<vmem>>)
      %dma_start3A_120 = arith.constant 0 : i32
      %dma_start3A_121 = arith.constant 0 : i32
      %dma_start3A_122 = tpu.memref_slice %arg9[%dma_start3A_120, %dma_start3A_121] : memref<6x128xi32, #tpu.memory_space<vmem>> -> memref<1x128xi32, #tpu.memory_space<vmem>>
      %dma_start3A_123 = tpu.memref_squeeze %dma_start3A_122 : memref<1x128xi32, #tpu.memory_space<vmem>> -> memref<128xi32, #tpu.memory_space<vmem>>
      %dma_start3A_124 = arith.constant 0 : i32
      %dma_start3A_125 = arith.constant 0 : i32
      %dma_start3A_126 = tpu.memref_slice %arg2[%dma_start3A_124, %dma_start3A_125] : memref<1140000x16xf32, #tpu.memory_space<hbm>> -> memref<1140000x16xf32, #tpu.memory_space<hbm>>
      tpu.enqueue_indirect_dma source(%dma_start3A_126 : memref<1140000x16xf32, #tpu.memory_space<hbm>>) target(%arg11 : memref<128x16xf32, #tpu.memory_space<vmem>>) offsets(%dma_start3A_123 : memref<128xi32, #tpu.memory_space<vmem>>) semaphore(%arg23 : memref<!tpu.dma_semaphore, #tpu.memory_space<semaphore_mem>>)
      %dma_start3A_127 = arith.constant 1 : i32
      %dma_start3A_128 = arith.constant 0 : i32
      %dma_start3A_129 = tpu.memref_slice %arg9[%dma_start3A_127, %dma_start3A_128] : memref<6x128xi32, #tpu.memory_space<vmem>> -> memref<1x128xi32, #tpu.memory_space<vmem>>
      %dma_start3A_130 = tpu.memref_squeeze %dma_start3A_129 : memref<1x128xi32, #tpu.memory_space<vmem>> -> memref<128xi32, #tpu.memory_space<vmem>>
      %dma_start3A_131 = arith.constant 0 : i32
      %dma_start3A_132 = arith.constant 0 : i32
      %dma_start3A_133 = tpu.memref_slice %arg2[%dma_start3A_131, %dma_start3A_132] : memref<1140000x16xf32, #tpu.memory_space<hbm>> -> memref<1140000x16xf32, #tpu.memory_space<hbm>>
      tpu.enqueue_indirect_dma source(%dma_start3A_133 : memref<1140000x16xf32, #tpu.memory_space<hbm>>) target(%arg13 : memref<128x16xf32, #tpu.memory_space<vmem>>) offsets(%dma_start3A_130 : memref<128xi32, #tpu.memory_space<vmem>>) semaphore(%arg24 : memref<!tpu.dma_semaphore, #tpu.memory_space<semaphore_mem>>)
      %ge3A = arith.constant 2 : i32
      %ge3A_134 = arith.cmpi sge, %add3A_95, %ge3A : i32
      %convert_element_type3A_135 = arith.extui %ge3A_134 : i1 to i32
      %cond3A_136 = arith.constant 0 : i32
      %cond3A_137 = arith.cmpi ne, %convert_element_type3A_135, %cond3A_136 : i32
      scf.if %cond3A_137 {
        %dma_wait3A_368 = arith.constant 0 : i32
        %dma_wait3A_369 = arith.constant 0 : i32
        %dma_wait3A_370 = tpu.memref_slice %arg20[%dma_wait3A_368, %dma_wait3A_369] : memref<10000x32xf32, #tpu.memory_space<vmem_shared>> -> memref<10000x32xf32, #tpu.memory_space<vmem_shared>>
        tpu.wait_indirect_dma semaphore(%arg27 : memref<!tpu.dma_semaphore, #tpu.memory_space<semaphore_mem>>) src(%arg14 : memref<128x32xf32, #tpu.memory_space<vmem>>) dst(%dma_wait3A_370 : memref<10000x32xf32, #tpu.memory_space<vmem_shared>>)
      } else {
      }
      %scan3A_138 = arith.constant 0 : i32
      %scan3A_139 = arith.constant 0 : i32
      %scan3A_140 = arith.constant 64 : i32
      %scan3A_141 = arith.addi %scan3A_139, %scan3A_140 : i32
      %scan3A_142 = arith.constant 1 : i32
      %scan3A_143 = scf.for %scan3A_368 = %scan3A_139 to %scan3A_141 step %scan3A_142 iter_args(%scan3A_369 = %scan3A_138) -> (i32)  : i32 {
        %mul3A_370 = arith.constant 2 : i32
        %mul3A_371 = arith.muli %mul3A_370, %scan3A_368 : i32
        %iota3A = tpu.iota {dimensions = array<i32: 0>} : vector<16xi32>
        %get3A_372 = arith.index_cast %mul3A_371 : i32 to index
        %get3A_373 = arith.constant 0 : index
        %get3A_374 = tpu.vector_load %arg10[%get3A_372, %get3A_373] {strides = array<i32>} : memref<128x16xf32, #tpu.memory_space<vmem>>, vector<1x16xf32>,
        %get3A_375 = vector.shape_cast %get3A_374 : vector<1x16xf32> to vector<16xf32>
        %get3A_376 = arith.index_cast %mul3A_371 : i32 to index
        %get3A_377 = arith.constant 0 : index
        %get3A_378 = tpu.vector_load %arg12[%get3A_376, %get3A_377] {strides = array<i32>} : memref<128x16xf32, #tpu.memory_space<vmem>>, vector<1x16xf32>,
        %get3A_379 = vector.shape_cast %get3A_378 : vector<1x16xf32> to vector<16xf32>
        %get3A_380 = arith.constant 0 : i32
        %get3A_381 = arith.index_cast %get3A_380 : i32 to index
        %get3A_382 = arith.constant 0 : index
        %get3A_383 = tpu.vector_load %arg18[%get3A_381, %get3A_382] {strides = array<i32>} : memref<4x16xf32, #tpu.memory_space<vmem>>, vector<1x16xf32>,
        %get3A_384 = vector.shape_cast %get3A_383 : vector<1x16xf32> to vector<16xf32>
        %mul3A_385 = arith.mulf %get3A_379, %get3A_384 : vector<16xf32>
        %get3A_386 = arith.constant 1 : i32
        %get3A_387 = arith.index_cast %get3A_386 : i32 to index
        %get3A_388 = arith.constant 0 : index
        %get3A_389 = tpu.vector_load %arg18[%get3A_387, %get3A_388] {strides = array<i32>} : memref<4x16xf32, #tpu.memory_space<vmem>>, vector<1x16xf32>,
        %get3A_390 = vector.shape_cast %get3A_389 : vector<1x16xf32> to vector<16xf32>
        %mul3A_391 = arith.mulf %get3A_375, %get3A_390 : vector<16xf32>
        %add3A_392 = arith.addf %mul3A_385, %mul3A_391 : vector<16xf32>
        %xor3A = arith.constant 8 : i32
        %xor3A_393 = vector.broadcast %xor3A : i32 to vector<16xi32>
        %xor3A_394 = arith.xori %iota3A, %xor3A_393 : vector<16xi32>
        %lt3A = arith.constant 0 : i32
        %lt3A_395 = vector.broadcast %lt3A : i32 to vector<16xi32>
        %lt3A_396 = arith.cmpi slt, %xor3A_394, %lt3A_395 : vector<16xi32>
        %add3A_397 = arith.constant 16 : i32
        %add3A_398 = vector.broadcast %add3A_397 : i32 to vector<16xi32>
        %add3A_399 = arith.addi %xor3A_394, %add3A_398 : vector<16xi32>
        %select_n3A = arith.select %lt3A_396, %add3A_399, %xor3A_394 : vector<16xi1>, vector<16xi32>
        %broadcast_in_dim3A_400 = vector.shape_cast %select_n3A : vector<16xi32> to vector<16x1xi32>
        %gather3A = vector.shape_cast %broadcast_in_dim3A_400 : vector<16x1xi32> to vector<16xi32>
        %gather3A_401 = tpu.dynamic_gather %add3A_392[%gather3A] in [0] : vector<16xf32>, vector<16xi32> -> vector<16xf32>
        %add3A_402 = arith.addf %add3A_392, %gather3A_401 : vector<16xf32>
        %xor3A_403 = arith.constant 4 : i32
        %xor3A_404 = vector.broadcast %xor3A_403 : i32 to vector<16xi32>
        %xor3A_405 = arith.xori %iota3A, %xor3A_404 : vector<16xi32>
        %lt3A_406 = arith.constant 0 : i32
        %lt3A_407 = vector.broadcast %lt3A_406 : i32 to vector<16xi32>
        %lt3A_408 = arith.cmpi slt, %xor3A_405, %lt3A_407 : vector<16xi32>
        %add3A_409 = arith.constant 16 : i32
        %add3A_410 = vector.broadcast %add3A_409 : i32 to vector<16xi32>
        %add3A_411 = arith.addi %xor3A_405, %add3A_410 : vector<16xi32>
        %select_n3A_412 = arith.select %lt3A_408, %add3A_411, %xor3A_405 : vector<16xi1>, vector<16xi32>
        %broadcast_in_dim3A_413 = vector.shape_cast %select_n3A_412 : vector<16xi32> to vector<16x1xi32>
        %gather3A_414 = vector.shape_cast %broadcast_in_dim3A_413 : vector<16x1xi32> to vector<16xi32>
        %gather3A_415 = tpu.dynamic_gather %add3A_402[%gather3A_414] in [0] : vector<16xf32>, vector<16xi32> -> vector<16xf32>
        %add3A_416 = arith.addf %add3A_402, %gather3A_415 : vector<16xf32>
        %xor3A_417 = arith.constant 2 : i32
        %xor3A_418 = vector.broadcast %xor3A_417 : i32 to vector<16xi32>
        %xor3A_419 = arith.xori %iota3A, %xor3A_418 : vector<16xi32>
        %lt3A_420 = arith.constant 0 : i32
        %lt3A_421 = vector.broadcast %lt3A_420 : i32 to vector<16xi32>
        %lt3A_422 = arith.cmpi slt, %xor3A_419, %lt3A_421 : vector<16xi32>
        %add3A_423 = arith.constant 16 : i32
        %add3A_424 = vector.broadcast %add3A_423 : i32 to vector<16xi32>
        %add3A_425 = arith.addi %xor3A_419, %add3A_424 : vector<16xi32>
        %select_n3A_426 = arith.select %lt3A_422, %add3A_425, %xor3A_419 : vector<16xi1>, vector<16xi32>
        %broadcast_in_dim3A_427 = vector.shape_cast %select_n3A_426 : vector<16xi32> to vector<16x1xi32>
        %gather3A_428 = vector.shape_cast %broadcast_in_dim3A_427 : vector<16x1xi32> to vector<16xi32>
        %gather3A_429 = tpu.dynamic_gather %add3A_416[%gather3A_428] in [0] : vector<16xf32>, vector<16xi32> -> vector<16xf32>
        %add3A_430 = arith.addf %add3A_416, %gather3A_429 : vector<16xf32>
        %xor3A_431 = arith.constant 1 : i32
        %xor3A_432 = vector.broadcast %xor3A_431 : i32 to vector<16xi32>
        %xor3A_433 = arith.xori %iota3A, %xor3A_432 : vector<16xi32>
        %lt3A_434 = arith.constant 0 : i32
        %lt3A_435 = vector.broadcast %lt3A_434 : i32 to vector<16xi32>
        %lt3A_436 = arith.cmpi slt, %xor3A_433, %lt3A_435 : vector<16xi32>
        %add3A_437 = arith.constant 16 : i32
        %add3A_438 = vector.broadcast %add3A_437 : i32 to vector<16xi32>
        %add3A_439 = arith.addi %xor3A_433, %add3A_438 : vector<16xi32>
        %select_n3A_440 = arith.select %lt3A_436, %add3A_439, %xor3A_433 : vector<16xi1>, vector<16xi32>
        %broadcast_in_dim3A_441 = vector.shape_cast %select_n3A_440 : vector<16xi32> to vector<16x1xi32>
        %gather3A_442 = vector.shape_cast %broadcast_in_dim3A_441 : vector<16x1xi32> to vector<16xi32>
        %gather3A_443 = tpu.dynamic_gather %add3A_430[%gather3A_442] in [0] : vector<16xf32>, vector<16xi32> -> vector<16xf32>
        %add3A_444 = arith.addf %add3A_430, %gather3A_443 : vector<16xf32>
        %mul3A_445 = arith.constant 2.000000e-01 : f32
        %mul3A_446 = vector.broadcast %mul3A_445 : f32 to vector<16xf32>
        %mul3A_447 = arith.mulf %mul3A_446, %add3A_444 : vector<16xf32>
        %max3A = arith.maximumf %add3A_444, %mul3A_447 : vector<16xf32>
        %get3A_448 = arith.constant 3 : i32
        %get3A_449 = arith.index_cast %get3A_448 : i32 to index
        %get3A_450 = arith.index_cast %mul3A_371 : i32 to index
        %get3A_451 = tpu.vector_load %arg8[%get3A_449, %get3A_450] {strides = array<i32>} : memref<6x128xi32, #tpu.memory_space<vmem>>, vector<1x16xi32>,
        %get3A_452 = vector.shape_cast %get3A_451 : vector<1x16xi32> to vector<16xi32>
        %slice3A = vector.extract_strided_slice %get3A_452 {offsets = [0], sizes = [1], strides = [1]} : vector<16xi32> to vector<1xi32>
        %squeeze3A = vector.extract %slice3A[0] : i32 from vector<1xi32>
        %get3A_453 = arith.constant 4 : i32
        %get3A_454 = arith.index_cast %get3A_453 : i32 to index
        %get3A_455 = arith.index_cast %mul3A_371 : i32 to index
        %get3A_456 = tpu.vector_load %arg8[%get3A_454, %get3A_455] {strides = array<i32>} : memref<6x128xi32, #tpu.memory_space<vmem>>, vector<1x16xi32>,
        %get3A_457 = vector.shape_cast %get3A_456 : vector<1x16xi32> to vector<16xi32>
        %slice3A_458 = vector.extract_strided_slice %get3A_457 {offsets = [0], sizes = [1], strides = [1]} : vector<16xi32> to vector<1xi32>
        %squeeze3A_459 = vector.extract %slice3A_458[0] : i32 from vector<1xi32>
        %get3A_460 = arith.index_cast %squeeze3A : i32 to index
        %get3A_461 = tpu.vector_load %arg7[%get3A_460] {strides = array<i32>} : memref<10016xf32, #tpu.memory_space<vmem>>, vector<16xf32>,
        %get3A_462 = vector.shape_cast %get3A_461 : vector<16xf32> to vector<16xf32>
        %slice3A_463 = vector.extract_strided_slice %get3A_462 {offsets = [0], sizes = [1], strides = [1]} : vector<16xf32> to vector<1xf32>
        %squeeze3A_464 = vector.extract %slice3A_463[0] : f32 from vector<1xf32>
        %get3A_465 = arith.index_cast %squeeze3A_459 : i32 to index
        %get3A_466 = tpu.vector_load %arg7[%get3A_465] {strides = array<i32>} : memref<10016xf32, #tpu.memory_space<vmem>>, vector<16xf32>,
        %get3A_467 = vector.shape_cast %get3A_466 : vector<16xf32> to vector<16xf32>
        %slice3A_468 = vector.extract_strided_slice %get3A_467 {offsets = [0], sizes = [1], strides = [1]} : vector<16xf32> to vector<1xf32>
        %squeeze3A_469 = vector.extract %slice3A_468[0] : f32 from vector<1xf32>
        %mul3A_470 = arith.constant 128 : i32
        %mul3A_471 = arith.muli %add3A_95, %mul3A_470 : i32
        %add3A_472 = arith.addi %mul3A_471, %mul3A_371 : i32
        %lt3A_473 = arith.constant 20096 : i32
        %lt3A_474 = arith.cmpi slt, %add3A_472, %lt3A_473 : i32
        %add3A_475 = arith.addi %mul3A_29, %add3A_472 : i32
        %lt3A_476 = arith.constant 640000 : i32
        %lt3A_477 = arith.cmpi slt, %add3A_475, %lt3A_476 : i32
        %and3A = arith.andi %lt3A_474, %lt3A_477 : i1
        %add3A_478 = arith.addf %squeeze3A_464, %squeeze3A_469 : f32
        %broadcast_in_dim3A_479 = vector.broadcast %add3A_478 : f32 to vector<16xf32>
        %add3A_480 = arith.addf %max3A, %broadcast_in_dim3A_479 : vector<16xf32>
        %broadcast_in_dim3A_481 = arith.constant -3.000000e+08 : f32
        %broadcast_in_dim3A_482 = vector.broadcast %broadcast_in_dim3A_481 : f32 to vector<16xf32>
        %select_n3A_483 = arith.select %and3A, %add3A_480, %broadcast_in_dim3A_482 : vector<16xf32>
        %exp3A = math.exp %select_n3A_483 : vector<16xf32>
        %mul3A_484 = arith.mulf %get3A_375, %exp3A : vector<16xf32>
        %swap3A_485 = arith.index_cast %mul3A_371 : i32 to index
        %swap3A_486 = arith.constant 0 : index
        %swap3A_487 = tpu.vector_load %arg14[%swap3A_485, %swap3A_486] {strides = array<i32>} : memref<128x32xf32, #tpu.memory_space<vmem>>, vector<1x16xf32>,
        %swap3A_488 = vector.shape_cast %swap3A_487 : vector<1x16xf32> to vector<16xf32>
        %swap3A_489 = vector.shape_cast %mul3A_484 : vector<16xf32> to vector<1x16xf32>
        tpu.vector_store %arg14[%swap3A_485, %swap3A_486], %swap3A_489 {strides = array<i32>} : memref<128x32xf32, #tpu.memory_space<vmem>>, vector<1x16xf32>,
        %get3A_490 = arith.constant 2 : i32
        %get3A_491 = arith.index_cast %get3A_490 : i32 to index
        %get3A_492 = arith.constant 0 : index
        %get3A_493 = tpu.vector_load %arg18[%get3A_491, %get3A_492] {strides = array<i32>} : memref<4x16xf32, #tpu.memory_space<vmem>>, vector<1x16xf32>,
        %get3A_494 = vector.shape_cast %get3A_493 : vector<1x16xf32> to vector<16xf32>
        %mul3A_495 = arith.mulf %get3A_494, %exp3A : vector<16xf32>
        %swap3A_496 = arith.index_cast %mul3A_371 : i32 to index
        %swap3A_497 = arith.constant 16 : index
        %swap3A_498 = tpu.vector_load %arg14[%swap3A_496, %swap3A_497] {strides = array<i32>} : memref<128x32xf32, #tpu.memory_space<vmem>>, vector<1x16xf32>,
        %swap3A_499 = vector.shape_cast %swap3A_498 : vector<1x16xf32> to vector<16xf32>
        %swap3A_500 = vector.shape_cast %mul3A_495 : vector<16xf32> to vector<1x16xf32>
        tpu.vector_store %arg14[%swap3A_496, %swap3A_497], %swap3A_500 {strides = array<i32>} : memref<128x32xf32, #tpu.memory_space<vmem>>, vector<1x16xf32>,
        %mul3A_501 = arith.constant 2 : i32
        %mul3A_502 = arith.muli %mul3A_501, %scan3A_368 : i32
        %add3A_503 = arith.constant 1 : i32
        %add3A_504 = arith.addi %mul3A_502, %add3A_503 : i32
        %iota3A_505 = tpu.iota {dimensions = array<i32: 0>} : vector<16xi32>
        %get3A_506 = arith.index_cast %add3A_504 : i32 to index
        %get3A_507 = arith.constant 0 : index
        %get3A_508 = tpu.vector_load %arg10[%get3A_506, %get3A_507] {strides = array<i32>} : memref<128x16xf32, #tpu.memory_space<vmem>>, vector<1x16xf32>,
        %get3A_509 = vector.shape_cast %get3A_508 : vector<1x16xf32> to vector<16xf32>
        %get3A_510 = arith.index_cast %add3A_504 : i32 to index
        %get3A_511 = arith.constant 0 : index
        %get3A_512 = tpu.vector_load %arg12[%get3A_510, %get3A_511] {strides = array<i32>} : memref<128x16xf32, #tpu.memory_space<vmem>>, vector<1x16xf32>,
        %get3A_513 = vector.shape_cast %get3A_512 : vector<1x16xf32> to vector<16xf32>
        %get3A_514 = arith.constant 0 : i32
        %get3A_515 = arith.index_cast %get3A_514 : i32 to index
        %get3A_516 = arith.constant 0 : index
        %get3A_517 = tpu.vector_load %arg18[%get3A_515, %get3A_516] {strides = array<i32>} : memref<4x16xf32, #tpu.memory_space<vmem>>, vector<1x16xf32>,
        %get3A_518 = vector.shape_cast %get3A_517 : vector<1x16xf32> to vector<16xf32>
        %mul3A_519 = arith.mulf %get3A_513, %get3A_518 : vector<16xf32>
        %get3A_520 = arith.constant 1 : i32
        %get3A_521 = arith.index_cast %get3A_520 : i32 to index
        %get3A_522 = arith.constant 0 : index
        %get3A_523 = tpu.vector_load %arg18[%get3A_521, %get3A_522] {strides = array<i32>} : memref<4x16xf32, #tpu.memory_space<vmem>>, vector<1x16xf32>,
        %get3A_524 = vector.shape_cast %get3A_523 : vector<1x16xf32> to vector<16xf32>
        %mul3A_525 = arith.mulf %get3A_509, %get3A_524 : vector<16xf32>
        %add3A_526 = arith.addf %mul3A_519, %mul3A_525 : vector<16xf32>
        %xor3A_527 = arith.constant 8 : i32
        %xor3A_528 = vector.broadcast %xor3A_527 : i32 to vector<16xi32>
        %xor3A_529 = arith.xori %iota3A_505, %xor3A_528 : vector<16xi32>
        %lt3A_530 = arith.constant 0 : i32
        %lt3A_531 = vector.broadcast %lt3A_530 : i32 to vector<16xi32>
        %lt3A_532 = arith.cmpi slt, %xor3A_529, %lt3A_531 : vector<16xi32>
        %add3A_533 = arith.constant 16 : i32
        %add3A_534 = vector.broadcast %add3A_533 : i32 to vector<16xi32>
        %add3A_535 = arith.addi %xor3A_529, %add3A_534 : vector<16xi32>
        %select_n3A_536 = arith.select %lt3A_532, %add3A_535, %xor3A_529 : vector<16xi1>, vector<16xi32>
        %broadcast_in_dim3A_537 = vector.shape_cast %select_n3A_536 : vector<16xi32> to vector<16x1xi32>
        %gather3A_538 = vector.shape_cast %broadcast_in_dim3A_537 : vector<16x1xi32> to vector<16xi32>
        %gather3A_539 = tpu.dynamic_gather %add3A_526[%gather3A_538] in [0] : vector<16xf32>, vector<16xi32> -> vector<16xf32>
        %add3A_540 = arith.addf %add3A_526, %gather3A_539 : vector<16xf32>
        %xor3A_541 = arith.constant 4 : i32
        %xor3A_542 = vector.broadcast %xor3A_541 : i32 to vector<16xi32>
        %xor3A_543 = arith.xori %iota3A_505, %xor3A_542 : vector<16xi32>
        %lt3A_544 = arith.constant 0 : i32
        %lt3A_545 = vector.broadcast %lt3A_544 : i32 to vector<16xi32>
        %lt3A_546 = arith.cmpi slt, %xor3A_543, %lt3A_545 : vector<16xi32>
        %add3A_547 = arith.constant 16 : i32
        %add3A_548 = vector.broadcast %add3A_547 : i32 to vector<16xi32>
        %add3A_549 = arith.addi %xor3A_543, %add3A_548 : vector<16xi32>
        %select_n3A_550 = arith.select %lt3A_546, %add3A_549, %xor3A_543 : vector<16xi1>, vector<16xi32>
        %broadcast_in_dim3A_551 = vector.shape_cast %select_n3A_550 : vector<16xi32> to vector<16x1xi32>
        %gather3A_552 = vector.shape_cast %broadcast_in_dim3A_551 : vector<16x1xi32> to vector<16xi32>
        %gather3A_553 = tpu.dynamic_gather %add3A_540[%gather3A_552] in [0] : vector<16xf32>, vector<16xi32> -> vector<16xf32>
        %add3A_554 = arith.addf %add3A_540, %gather3A_553 : vector<16xf32>
        %xor3A_555 = arith.constant 2 : i32
        %xor3A_556 = vector.broadcast %xor3A_555 : i32 to vector<16xi32>
        %xor3A_557 = arith.xori %iota3A_505, %xor3A_556 : vector<16xi32>
        %lt3A_558 = arith.constant 0 : i32
        %lt3A_559 = vector.broadcast %lt3A_558 : i32 to vector<16xi32>
        %lt3A_560 = arith.cmpi slt, %xor3A_557, %lt3A_559 : vector<16xi32>
        %add3A_561 = arith.constant 16 : i32
        %add3A_562 = vector.broadcast %add3A_561 : i32 to vector<16xi32>
        %add3A_563 = arith.addi %xor3A_557, %add3A_562 : vector<16xi32>
        %select_n3A_564 = arith.select %lt3A_560, %add3A_563, %xor3A_557 : vector<16xi1>, vector<16xi32>
        %broadcast_in_dim3A_565 = vector.shape_cast %select_n3A_564 : vector<16xi32> to vector<16x1xi32>
        %gather3A_566 = vector.shape_cast %broadcast_in_dim3A_565 : vector<16x1xi32> to vector<16xi32>
        %gather3A_567 = tpu.dynamic_gather %add3A_554[%gather3A_566] in [0] : vector<16xf32>, vector<16xi32> -> vector<16xf32>
        %add3A_568 = arith.addf %add3A_554, %gather3A_567 : vector<16xf32>
        %xor3A_569 = arith.constant 1 : i32
        %xor3A_570 = vector.broadcast %xor3A_569 : i32 to vector<16xi32>
        %xor3A_571 = arith.xori %iota3A_505, %xor3A_570 : vector<16xi32>
        %lt3A_572 = arith.constant 0 : i32
        %lt3A_573 = vector.broadcast %lt3A_572 : i32 to vector<16xi32>
        %lt3A_574 = arith.cmpi slt, %xor3A_571, %lt3A_573 : vector<16xi32>
        %add3A_575 = arith.constant 16 : i32
        %add3A_576 = vector.broadcast %add3A_575 : i32 to vector<16xi32>
        %add3A_577 = arith.addi %xor3A_571, %add3A_576 : vector<16xi32>
        %select_n3A_578 = arith.select %lt3A_574, %add3A_577, %xor3A_571 : vector<16xi1>, vector<16xi32>
        %broadcast_in_dim3A_579 = vector.shape_cast %select_n3A_578 : vector<16xi32> to vector<16x1xi32>
        %gather3A_580 = vector.shape_cast %broadcast_in_dim3A_579 : vector<16x1xi32> to vector<16xi32>
        %gather3A_581 = tpu.dynamic_gather %add3A_568[%gather3A_580] in [0] : vector<16xf32>, vector<16xi32> -> vector<16xf32>
        %add3A_582 = arith.addf %add3A_568, %gather3A_581 : vector<16xf32>
        %mul3A_583 = arith.constant 2.000000e-01 : f32
        %mul3A_584 = vector.broadcast %mul3A_583 : f32 to vector<16xf32>
        %mul3A_585 = arith.mulf %mul3A_584, %add3A_582 : vector<16xf32>
        %max3A_586 = arith.maximumf %add3A_582, %mul3A_585 : vector<16xf32>
        %get3A_587 = arith.constant 3 : i32
        %get3A_588 = arith.index_cast %get3A_587 : i32 to index
        %get3A_589 = arith.index_cast %add3A_504 : i32 to index
        %get3A_590 = tpu.vector_load %arg8[%get3A_588, %get3A_589] {strides = array<i32>} : memref<6x128xi32, #tpu.memory_space<vmem>>, vector<1x16xi32>,
        %get3A_591 = vector.shape_cast %get3A_590 : vector<1x16xi32> to vector<16xi32>
        %slice3A_592 = vector.extract_strided_slice %get3A_591 {offsets = [0], sizes = [1], strides = [1]} : vector<16xi32> to vector<1xi32>
        %squeeze3A_593 = vector.extract %slice3A_592[0] : i32 from vector<1xi32>
        %get3A_594 = arith.constant 4 : i32
        %get3A_595 = arith.index_cast %get3A_594 : i32 to index
        %get3A_596 = arith.index_cast %add3A_504 : i32 to index
        %get3A_597 = tpu.vector_load %arg8[%get3A_595, %get3A_596] {strides = array<i32>} : memref<6x128xi32, #tpu.memory_space<vmem>>, vector<1x16xi32>,
        %get3A_598 = vector.shape_cast %get3A_597 : vector<1x16xi32> to vector<16xi32>
        %slice3A_599 = vector.extract_strided_slice %get3A_598 {offsets = [0], sizes = [1], strides = [1]} : vector<16xi32> to vector<1xi32>
        %squeeze3A_600 = vector.extract %slice3A_599[0] : i32 from vector<1xi32>
        %get3A_601 = arith.index_cast %squeeze3A_593 : i32 to index
        %get3A_602 = tpu.vector_load %arg7[%get3A_601] {strides = array<i32>} : memref<10016xf32, #tpu.memory_space<vmem>>, vector<16xf32>,
        %get3A_603 = vector.shape_cast %get3A_602 : vector<16xf32> to vector<16xf32>
        %slice3A_604 = vector.extract_strided_slice %get3A_603 {offsets = [0], sizes = [1], strides = [1]} : vector<16xf32> to vector<1xf32>
        %squeeze3A_605 = vector.extract %slice3A_604[0] : f32 from vector<1xf32>
        %get3A_606 = arith.index_cast %squeeze3A_600 : i32 to index
        %get3A_607 = tpu.vector_load %arg7[%get3A_606] {strides = array<i32>} : memref<10016xf32, #tpu.memory_space<vmem>>, vector<16xf32>,
        %get3A_608 = vector.shape_cast %get3A_607 : vector<16xf32> to vector<16xf32>
        %slice3A_609 = vector.extract_strided_slice %get3A_608 {offsets = [0], sizes = [1], strides = [1]} : vector<16xf32> to vector<1xf32>
        %squeeze3A_610 = vector.extract %slice3A_609[0] : f32 from vector<1xf32>
        %mul3A_611 = arith.constant 128 : i32
        %mul3A_612 = arith.muli %add3A_95, %mul3A_611 : i32
        %add3A_613 = arith.addi %mul3A_612, %add3A_504 : i32
        %lt3A_614 = arith.constant 20096 : i32
        %lt3A_615 = arith.cmpi slt, %add3A_613, %lt3A_614 : i32
        %add3A_616 = arith.addi %mul3A_29, %add3A_613 : i32
        %lt3A_617 = arith.constant 640000 : i32
        %lt3A_618 = arith.cmpi slt, %add3A_616, %lt3A_617 : i32
        %and3A_619 = arith.andi %lt3A_615, %lt3A_618 : i1
        %add3A_620 = arith.addf %squeeze3A_605, %squeeze3A_610 : f32
        %broadcast_in_dim3A_621 = vector.broadcast %add3A_620 : f32 to vector<16xf32>
        %add3A_622 = arith.addf %max3A_586, %broadcast_in_dim3A_621 : vector<16xf32>
        %broadcast_in_dim3A_623 = arith.constant -3.000000e+08 : f32
        %broadcast_in_dim3A_624 = vector.broadcast %broadcast_in_dim3A_623 : f32 to vector<16xf32>
        %select_n3A_625 = arith.select %and3A_619, %add3A_622, %broadcast_in_dim3A_624 : vector<16xf32>
        %exp3A_626 = math.exp %select_n3A_625 : vector<16xf32>
        %mul3A_627 = arith.mulf %get3A_509, %exp3A_626 : vector<16xf32>
        %swap3A_628 = arith.index_cast %add3A_504 : i32 to index
        %swap3A_629 = arith.constant 0 : index
        %swap3A_630 = tpu.vector_load %arg14[%swap3A_628, %swap3A_629] {strides = array<i32>} : memref<128x32xf32, #tpu.memory_space<vmem>>, vector<1x16xf32>,
        %swap3A_631 = vector.shape_cast %swap3A_630 : vector<1x16xf32> to vector<16xf32>
        %swap3A_632 = vector.shape_cast %mul3A_627 : vector<16xf32> to vector<1x16xf32>
        tpu.vector_store %arg14[%swap3A_628, %swap3A_629], %swap3A_632 {strides = array<i32>} : memref<128x32xf32, #tpu.memory_space<vmem>>, vector<1x16xf32>,
        %get3A_633 = arith.constant 2 : i32
        %get3A_634 = arith.index_cast %get3A_633 : i32 to index
        %get3A_635 = arith.constant 0 : index
        %get3A_636 = tpu.vector_load %arg18[%get3A_634, %get3A_635] {strides = array<i32>} : memref<4x16xf32, #tpu.memory_space<vmem>>, vector<1x16xf32>,
        %get3A_637 = vector.shape_cast %get3A_636 : vector<1x16xf32> to vector<16xf32>
        %mul3A_638 = arith.mulf %get3A_637, %exp3A_626 : vector<16xf32>
        %swap3A_639 = arith.index_cast %add3A_504 : i32 to index
        %swap3A_640 = arith.constant 16 : index
        %swap3A_641 = tpu.vector_load %arg14[%swap3A_639, %swap3A_640] {strides = array<i32>} : memref<128x32xf32, #tpu.memory_space<vmem>>, vector<1x16xf32>,
        %swap3A_642 = vector.shape_cast %swap3A_641 : vector<1x16xf32> to vector<16xf32>
        %swap3A_643 = vector.shape_cast %mul3A_638 : vector<16xf32> to vector<1x16xf32>
        tpu.vector_store %arg14[%swap3A_639, %swap3A_640], %swap3A_643 {strides = array<i32>} : memref<128x32xf32, #tpu.memory_space<vmem>>, vector<1x16xf32>,
        %scan3A_644 = arith.constant 0 : i32
        scf.yield %scan3A_644 : i32
      }
      %scan3A_144 = arith.constant 64 : i32
      %get3A = arith.constant 2 : i32
      %get3A_145 = arith.index_cast %get3A : i32 to index
      %get3A_146 = arith.constant 0 : index
      %get3A_147 = tpu.vector_load %arg8[%get3A_145, %get3A_146] {strides = array<i32>} : memref<6x128xi32, #tpu.memory_space<vmem>>, vector<1x16xi32>,
      %get3A_148 = vector.shape_cast %get3A_147 : vector<1x16xi32> to vector<16xi32>
      %swap3A = arith.constant 0 : index
      %swap3A_149 = tpu.vector_load %arg16[%swap3A] {strides = array<i32>} : memref<128xi32, #tpu.memory_space<vmem>>, vector<16xi32>,
      %swap3A_150 = vector.shape_cast %swap3A_149 : vector<16xi32> to vector<16xi32>
      %swap3A_151 = vector.shape_cast %get3A_148 : vector<16xi32> to vector<16xi32>
      tpu.vector_store %arg16[%swap3A], %swap3A_151 {strides = array<i32>} : memref<128xi32, #tpu.memory_space<vmem>>, vector<16xi32>,
      %get3A_152 = arith.constant 2 : i32
      %get3A_153 = arith.index_cast %get3A_152 : i32 to index
      %get3A_154 = arith.constant 16 : index
      %get3A_155 = tpu.vector_load %arg8[%get3A_153, %get3A_154] {strides = array<i32>} : memref<6x128xi32, #tpu.memory_space<vmem>>, vector<1x16xi32>,
      %get3A_156 = vector.shape_cast %get3A_155 : vector<1x16xi32> to vector<16xi32>
      %swap3A_157 = arith.constant 16 : index
      %swap3A_158 = tpu.vector_load %arg16[%swap3A_157] {strides = array<i32>} : memref<128xi32, #tpu.memory_space<vmem>>, vector<16xi32>,
      %swap3A_159 = vector.shape_cast %swap3A_158 : vector<16xi32> to vector<16xi32>
      %swap3A_160 = vector.shape_cast %get3A_156 : vector<16xi32> to vector<16xi32>
      tpu.vector_store %arg16[%swap3A_157], %swap3A_160 {strides = array<i32>} : memref<128xi32, #tpu.memory_space<vmem>>, vector<16xi32>,
      %get3A_161 = arith.constant 2 : i32
      %get3A_162 = arith.index_cast %get3A_161 : i32 to index
      %get3A_163 = arith.constant 32 : index
      %get3A_164 = tpu.vector_load %arg8[%get3A_162, %get3A_163] {strides = array<i32>} : memref<6x128xi32, #tpu.memory_space<vmem>>, vector<1x16xi32>,
      %get3A_165 = vector.shape_cast %get3A_164 : vector<1x16xi32> to vector<16xi32>
      %swap3A_166 = arith.constant 32 : index
      %swap3A_167 = tpu.vector_load %arg16[%swap3A_166] {strides = array<i32>} : memref<128xi32, #tpu.memory_space<vmem>>, vector<16xi32>,
      %swap3A_168 = vector.shape_cast %swap3A_167 : vector<16xi32> to vector<16xi32>
      %swap3A_169 = vector.shape_cast %get3A_165 : vector<16xi32> to vector<16xi32>
      tpu.vector_store %arg16[%swap3A_166], %swap3A_169 {strides = array<i32>} : memref<128xi32, #tpu.memory_space<vmem>>, vector<16xi32>,
      %get3A_170 = arith.constant 2 : i32
      %get3A_171 = arith.index_cast %get3A_170 : i32 to index
      %get3A_172 = arith.constant 48 : index
      %get3A_173 = tpu.vector_load %arg8[%get3A_171, %get3A_172] {strides = array<i32>} : memref<6x128xi32, #tpu.memory_space<vmem>>, vector<1x16xi32>,
      %get3A_174 = vector.shape_cast %get3A_173 : vector<1x16xi32> to vector<16xi32>
      %swap3A_175 = arith.constant 48 : index
      %swap3A_176 = tpu.vector_load %arg16[%swap3A_175] {strides = array<i32>} : memref<128xi32, #tpu.memory_space<vmem>>, vector<16xi32>,
      %swap3A_177 = vector.shape_cast %swap3A_176 : vector<16xi32> to vector<16xi32>
      %swap3A_178 = vector.shape_cast %get3A_174 : vector<16xi32> to vector<16xi32>
      tpu.vector_store %arg16[%swap3A_175], %swap3A_178 {strides = array<i32>} : memref<128xi32, #tpu.memory_space<vmem>>, vector<16xi32>,
      %get3A_179 = arith.constant 2 : i32
      %get3A_180 = arith.index_cast %get3A_179 : i32 to index
      %get3A_181 = arith.constant 64 : index
      %get3A_182 = tpu.vector_load %arg8[%get3A_180, %get3A_181] {strides = array<i32>} : memref<6x128xi32, #tpu.memory_space<vmem>>, vector<1x16xi32>,
      %get3A_183 = vector.shape_cast %get3A_182 : vector<1x16xi32> to vector<16xi32>
      %swap3A_184 = arith.constant 64 : index
      %swap3A_185 = tpu.vector_load %arg16[%swap3A_184] {strides = array<i32>} : memref<128xi32, #tpu.memory_space<vmem>>, vector<16xi32>,
      %swap3A_186 = vector.shape_cast %swap3A_185 : vector<16xi32> to vector<16xi32>
      %swap3A_187 = vector.shape_cast %get3A_183 : vector<16xi32> to vector<16xi32>
      tpu.vector_store %arg16[%swap3A_184], %swap3A_187 {strides = array<i32>} : memref<128xi32, #tpu.memory_space<vmem>>, vector<16xi32>,
      %get3A_188 = arith.constant 2 : i32
      %get3A_189 = arith.index_cast %get3A_188 : i32 to index
      %get3A_190 = arith.constant 80 : index
      %get3A_191 = tpu.vector_load %arg8[%get3A_189, %get3A_190] {strides = array<i32>} : memref<6x128xi32, #tpu.memory_space<vmem>>, vector<1x16xi32>,
      %get3A_192 = vector.shape_cast %get3A_191 : vector<1x16xi32> to vector<16xi32>
      %swap3A_193 = arith.constant 80 : index
      %swap3A_194 = tpu.vector_load %arg16[%swap3A_193] {strides = array<i32>} : memref<128xi32, #tpu.memory_space<vmem>>, vector<16xi32>,
      %swap3A_195 = vector.shape_cast %swap3A_194 : vector<16xi32> to vector<16xi32>
      %swap3A_196 = vector.shape_cast %get3A_192 : vector<16xi32> to vector<16xi32>
      tpu.vector_store %arg16[%swap3A_193], %swap3A_196 {strides = array<i32>} : memref<128xi32, #tpu.memory_space<vmem>>, vector<16xi32>,
      %get3A_197 = arith.constant 2 : i32
      %get3A_198 = arith.index_cast %get3A_197 : i32 to index
      %get3A_199 = arith.constant 96 : index
      %get3A_200 = tpu.vector_load %arg8[%get3A_198, %get3A_199] {strides = array<i32>} : memref<6x128xi32, #tpu.memory_space<vmem>>, vector<1x16xi32>,
      %get3A_201 = vector.shape_cast %get3A_200 : vector<1x16xi32> to vector<16xi32>
      %swap3A_202 = arith.constant 96 : index
      %swap3A_203 = tpu.vector_load %arg16[%swap3A_202] {strides = array<i32>} : memref<128xi32, #tpu.memory_space<vmem>>, vector<16xi32>,
      %swap3A_204 = vector.shape_cast %swap3A_203 : vector<16xi32> to vector<16xi32>
      %swap3A_205 = vector.shape_cast %get3A_201 : vector<16xi32> to vector<16xi32>
      tpu.vector_store %arg16[%swap3A_202], %swap3A_205 {strides = array<i32>} : memref<128xi32, #tpu.memory_space<vmem>>, vector<16xi32>,
      %get3A_206 = arith.constant 2 : i32
      %get3A_207 = arith.index_cast %get3A_206 : i32 to index
      %get3A_208 = arith.constant 112 : index
      %get3A_209 = tpu.vector_load %arg8[%get3A_207, %get3A_208] {strides = array<i32>} : memref<6x128xi32, #tpu.memory_space<vmem>>, vector<1x16xi32>,
      %get3A_210 = vector.shape_cast %get3A_209 : vector<1x16xi32> to vector<16xi32>
      %swap3A_211 = arith.constant 112 : index
      %swap3A_212 = tpu.vector_load %arg16[%swap3A_211] {strides = array<i32>} : memref<128xi32, #tpu.memory_space<vmem>>, vector<16xi32>,
      %swap3A_213 = vector.shape_cast %swap3A_212 : vector<16xi32> to vector<16xi32>
      %swap3A_214 = vector.shape_cast %get3A_210 : vector<16xi32> to vector<16xi32>
      tpu.vector_store %arg16[%swap3A_211], %swap3A_214 {strides = array<i32>} : memref<128xi32, #tpu.memory_space<vmem>>, vector<16xi32>,
      %dma_start3A_215 = arith.constant 0 : i32
      %dma_start3A_216 = arith.constant 0 : i32
      %dma_start3A_217 = tpu.memref_slice %arg20[%dma_start3A_215, %dma_start3A_216] : memref<10000x32xf32, #tpu.memory_space<vmem_shared>> -> memref<10000x32xf32, #tpu.memory_space<vmem_shared>>
      tpu.enqueue_indirect_dma source(%arg14 : memref<128x32xf32, #tpu.memory_space<vmem>>) target(%dma_start3A_217 : memref<10000x32xf32, #tpu.memory_space<vmem_shared>>) offsets(%arg16 : memref<128xi32, #tpu.memory_space<vmem>>) semaphore(%arg27 : memref<!tpu.dma_semaphore, #tpu.memory_space<semaphore_mem>>) {add = true}
      %add3A_218 = arith.constant 2 : i32
      %add3A_219 = arith.addi %add3A_95, %add3A_218 : i32
      %dma_start3A_220 = arith.constant 0 : i32
      %dma_start3A_221 = arith.constant 0 : i32
      %dma_start3A_222 = tpu.memref_slice %arg3[%add3A, %add3A_219, %dma_start3A_220, %dma_start3A_221] : memref<32x160x6x128xi32, #tpu.memory_space<hbm>> -> memref<1x1x6x128xi32, #tpu.memory_space<hbm>>
      %dma_start3A_223 = tpu.memref_squeeze %dma_start3A_222 : memref<1x1x6x128xi32, #tpu.memory_space<hbm>> -> memref<6x128xi32, #tpu.memory_space<hbm>>
      %dma_start3A_224 = arith.constant 0 : i32
      %dma_start3A_225 = arith.constant 0 : i32
      %dma_start3A_226 = tpu.memref_slice %arg3[%add3A, %add3A_219, %dma_start3A_224, %dma_start3A_225] : memref<32x160x6x128xi32, #tpu.memory_space<hbm>> -> memref<1x1x6x128xi32, #tpu.memory_space<hbm>>
      %dma_start3A_227 = tpu.memref_squeeze %dma_start3A_226 : memref<1x1x6x128xi32, #tpu.memory_space<hbm>> -> memref<6x128xi32, #tpu.memory_space<hbm>>
      tpu.enqueue_dma source(%dma_start3A_227 : memref<6x128xi32, #tpu.memory_space<hbm>>) target(%arg8 : memref<6x128xi32, #tpu.memory_space<vmem>>) target_semaphore(%arg25 : memref<!tpu.dma_semaphore, #tpu.memory_space<semaphore_mem>>)
      %mul3A_228 = arith.constant 2 : i32
      %mul3A_229 = arith.muli %mul3A_228, %scan3A_90 : i32
      %add3A_230 = arith.constant 1 : i32
      %add3A_231 = arith.addi %mul3A_229, %add3A_230 : i32
      %dma_wait3A_232 = arith.constant 0 : i32
      %dma_wait3A_233 = arith.constant 0 : i32
      %dma_wait3A_234 = tpu.memref_slice %arg9[%dma_wait3A_232, %dma_wait3A_233] : memref<6x128xi32, #tpu.memory_space<vmem>> -> memref<1x128xi32, #tpu.memory_space<vmem>>
      %dma_wait3A_235 = tpu.memref_squeeze %dma_wait3A_234 : memref<1x128xi32, #tpu.memory_space<vmem>> -> memref<128xi32, #tpu.memory_space<vmem>>
      %dma_wait3A_236 = arith.constant 0 : i32
      %dma_wait3A_237 = arith.constant 0 : i32
      %dma_wait3A_238 = tpu.memref_slice %arg2[%dma_wait3A_236, %dma_wait3A_237] : memref<1140000x16xf32, #tpu.memory_space<hbm>> -> memref<1140000x16xf32, #tpu.memory_space<hbm>>
      tpu.wait_indirect_dma semaphore(%arg23 : memref<!tpu.dma_semaphore, #tpu.memory_space<semaphore_mem>>) src(%dma_wait3A_238 : memref<1140000x16xf32, #tpu.memory_space<hbm>>) dst(%arg11 : memref<128x16xf32, #tpu.memory_space<vmem>>)
      %dma_wait3A_239 = arith.constant 1 : i32
      %dma_wait3A_240 = arith.constant 0 : i32
      %dma_wait3A_241 = tpu.memref_slice %arg9[%dma_wait3A_239, %dma_wait3A_240] : memref<6x128xi32, #tpu.memory_space<vmem>> -> memref<1x128xi32, #tpu.memory_space<vmem>>
      %dma_wait3A_242 = tpu.memref_squeeze %dma_wait3A_241 : memref<1x128xi32, #tpu.memory_space<vmem>> -> memref<128xi32, #tpu.memory_space<vmem>>
      %dma_wait3A_243 = arith.constant 0 : i32
      %dma_wait3A_244 = arith.constant 0 : i32
      %dma_wait3A_245 = tpu.memref_slice %arg2[%dma_wait3A_243, %dma_wait3A_244] : memref<1140000x16xf32, #tpu.memory_space<hbm>> -> memref<1140000x16xf32, #tpu.memory_space<hbm>>
      tpu.wait_indirect_dma semaphore(%arg24 : memref<!tpu.dma_semaphore, #tpu.memory_space<semaphore_mem>>) src(%dma_wait3A_245 : memref<1140000x16xf32, #tpu.memory_space<hbm>>) dst(%arg13 : memref<128x16xf32, #tpu.memory_space<vmem>>)
      %add3A_246 = arith.constant 1 : i32
      %add3A_247 = arith.addi %add3A_231, %add3A_246 : i32
      %dma_wait3A_248 = arith.constant 0 : i32
      %dma_wait3A_249 = arith.constant 0 : i32
      %dma_wait3A_250 = tpu.memref_slice %arg3[%add3A, %add3A_247, %dma_wait3A_248, %dma_wait3A_249] : memref<32x160x6x128xi32, #tpu.memory_space<hbm>> -> memref<1x1x6x128xi32, #tpu.memory_space<hbm>>
      %dma_wait3A_251 = tpu.memref_squeeze %dma_wait3A_250 : memref<1x1x6x128xi32, #tpu.memory_space<hbm>> -> memref<6x128xi32, #tpu.memory_space<hbm>>
      %dma_wait3A_252 = arith.constant 0 : i32
      %dma_wait3A_253 = arith.constant 0 : i32
      %dma_wait3A_254 = tpu.memref_slice %arg3[%add3A, %add3A_247, %dma_wait3A_252, %dma_wait3A_253] : memref<32x160x6x128xi32, #tpu.memory_space<hbm>> -> memref<1x1x6x128xi32, #tpu.memory_space<hbm>>
      %dma_wait3A_255 = tpu.memref_squeeze %dma_wait3A_254 : memref<1x1x6x128xi32, #tpu.memory_space<hbm>> -> memref<6x128xi32, #tpu.memory_space<hbm>>
      tpu.wait_dma2 semaphore(%arg25 : memref<!tpu.dma_semaphore, #tpu.memory_space<semaphore_mem>>) src(%dma_wait3A_255 : memref<6x128xi32, #tpu.memory_space<hbm>>) dst(%arg8 : memref<6x128xi32, #tpu.memory_space<vmem>>)
      %dma_start3A_256 = arith.constant 0 : i32
      %dma_start3A_257 = arith.constant 0 : i32
      %dma_start3A_258 = tpu.memref_slice %arg8[%dma_start3A_256, %dma_start3A_257] : memref<6x128xi32, #tpu.memory_space<vmem>> -> memref<1x128xi32, #tpu.memory_space<vmem>>
      %dma_start3A_259 = tpu.memref_squeeze %dma_start3A_258 : memref<1x128xi32, #tpu.memory_space<vmem>> -> memref<128xi32, #tpu.memory_space<vmem>>
      %dma_start3A_260 = arith.constant 0 : i32
      %dma_start3A_261 = arith.constant 0 : i32
      %dma_start3A_262 = tpu.memref_slice %arg2[%dma_start3A_260, %dma_start3A_261] : memref<1140000x16xf32, #tpu.memory_space<hbm>> -> memref<1140000x16xf32, #tpu.memory_space<hbm>>
      tpu.enqueue_indirect_dma source(%dma_start3A_262 : memref<1140000x16xf32, #tpu.memory_space<hbm>>) target(%arg10 : memref<128x16xf32, #tpu.memory_space<vmem>>) offsets(%dma_start3A_259 : memref<128xi32, #tpu.memory_space<vmem>>) semaphore(%arg21 : memref<!tpu.dma_semaphore, #tpu.memory_space<semaphore_mem>>)
      %dma_start3A_263 = arith.constant 1 : i32
      %dma_start3A_264 = arith.constant 0 : i32
      %dma_start3A_265 = tpu.memref_slice %arg8[%dma_start3A_263, %dma_start3A_264] : memref<6x128xi32, #tpu.memory_space<vmem>> -> memref<1x128xi32, #tpu.memory_space<vmem>>
      %dma_start3A_266 = tpu.memref_squeeze %dma_start3A_265 : memref<1x128xi32, #tpu.memory_space<vmem>> -> memref<128xi32, #tpu.memory_space<vmem>>
      %dma_start3A_267 = arith.constant 0 : i32
      %dma_start3A_268 = arith.constant 0 : i32
      %dma_start3A_269 = tpu.memref_slice %arg2[%dma_start3A_267, %dma_start3A_268] : memref<1140000x16xf32, #tpu.memory_space<hbm>> -> memref<1140000x16xf32, #tpu.memory_space<hbm>>
      tpu.enqueue_indirect_dma source(%dma_start3A_269 : memref<1140000x16xf32, #tpu.memory_space<hbm>>) target(%arg12 : memref<128x16xf32, #tpu.memory_space<vmem>>) offsets(%dma_start3A_266 : memref<128xi32, #tpu.memory_space<vmem>>) semaphore(%arg22 : memref<!tpu.dma_semaphore, #tpu.memory_space<semaphore_mem>>)
      %ge3A_270 = arith.constant 2 : i32
      %ge3A_271 = arith.cmpi sge, %add3A_231, %ge3A_270 : i32
      %convert_element_type3A_272 = arith.extui %ge3A_271 : i1 to i32
      %cond3A_273 = arith.constant 0 : i32
      %cond3A_274 = arith.cmpi ne, %convert_element_type3A_272, %cond3A_273 : i32
      scf.if %cond3A_274 {
        %dma_wait3A_368 = arith.constant 0 : i32
        %dma_wait3A_369 = arith.constant 0 : i32
        %dma_wait3A_370 = tpu.memref_slice %arg20[%dma_wait3A_368, %dma_wait3A_369] : memref<10000x32xf32, #tpu.memory_space<vmem_shared>> -> memref<10000x32xf32, #tpu.memory_space<vmem_shared>>
        tpu.wait_indirect_dma semaphore(%arg28 : memref<!tpu.dma_semaphore, #tpu.memory_space<semaphore_mem>>) src(%arg15 : memref<128x32xf32, #tpu.memory_space<vmem>>) dst(%dma_wait3A_370 : memref<10000x32xf32, #tpu.memory_space<vmem_shared>>)
      } else {
      }
      %scan3A_275 = arith.constant 0 : i32
      %scan3A_276 = arith.constant 0 : i32
      %scan3A_277 = arith.constant 64 : i32
      %scan3A_278 = arith.addi %scan3A_276, %scan3A_277 : i32
      %scan3A_279 = arith.constant 1 : i32
      %scan3A_280 = scf.for %scan3A_368 = %scan3A_276 to %scan3A_278 step %scan3A_279 iter_args(%scan3A_369 = %scan3A_275) -> (i32)  : i32 {
        %mul3A_370 = arith.constant 2 : i32
        %mul3A_371 = arith.muli %mul3A_370, %scan3A_368 : i32
        %iota3A = tpu.iota {dimensions = array<i32: 0>} : vector<16xi32>
        %get3A_372 = arith.index_cast %mul3A_371 : i32 to index
        %get3A_373 = arith.constant 0 : index
        %get3A_374 = tpu.vector_load %arg11[%get3A_372, %get3A_373] {strides = array<i32>} : memref<128x16xf32, #tpu.memory_space<vmem>>, vector<1x16xf32>,
        %get3A_375 = vector.shape_cast %get3A_374 : vector<1x16xf32> to vector<16xf32>
        %get3A_376 = arith.index_cast %mul3A_371 : i32 to index
        %get3A_377 = arith.constant 0 : index
        %get3A_378 = tpu.vector_load %arg13[%get3A_376, %get3A_377] {strides = array<i32>} : memref<128x16xf32, #tpu.memory_space<vmem>>, vector<1x16xf32>,
        %get3A_379 = vector.shape_cast %get3A_378 : vector<1x16xf32> to vector<16xf32>
        %get3A_380 = arith.constant 0 : i32
        %get3A_381 = arith.index_cast %get3A_380 : i32 to index
        %get3A_382 = arith.constant 0 : index
        %get3A_383 = tpu.vector_load %arg18[%get3A_381, %get3A_382] {strides = array<i32>} : memref<4x16xf32, #tpu.memory_space<vmem>>, vector<1x16xf32>,
        %get3A_384 = vector.shape_cast %get3A_383 : vector<1x16xf32> to vector<16xf32>
        %mul3A_385 = arith.mulf %get3A_379, %get3A_384 : vector<16xf32>
        %get3A_386 = arith.constant 1 : i32
        %get3A_387 = arith.index_cast %get3A_386 : i32 to index
        %get3A_388 = arith.constant 0 : index
        %get3A_389 = tpu.vector_load %arg18[%get3A_387, %get3A_388] {strides = array<i32>} : memref<4x16xf32, #tpu.memory_space<vmem>>, vector<1x16xf32>,
        %get3A_390 = vector.shape_cast %get3A_389 : vector<1x16xf32> to vector<16xf32>
        %mul3A_391 = arith.mulf %get3A_375, %get3A_390 : vector<16xf32>
        %add3A_392 = arith.addf %mul3A_385, %mul3A_391 : vector<16xf32>
        %xor3A = arith.constant 8 : i32
        %xor3A_393 = vector.broadcast %xor3A : i32 to vector<16xi32>
        %xor3A_394 = arith.xori %iota3A, %xor3A_393 : vector<16xi32>
        %lt3A = arith.constant 0 : i32
        %lt3A_395 = vector.broadcast %lt3A : i32 to vector<16xi32>
        %lt3A_396 = arith.cmpi slt, %xor3A_394, %lt3A_395 : vector<16xi32>
        %add3A_397 = arith.constant 16 : i32
        %add3A_398 = vector.broadcast %add3A_397 : i32 to vector<16xi32>
        %add3A_399 = arith.addi %xor3A_394, %add3A_398 : vector<16xi32>
        %select_n3A = arith.select %lt3A_396, %add3A_399, %xor3A_394 : vector<16xi1>, vector<16xi32>
        %broadcast_in_dim3A_400 = vector.shape_cast %select_n3A : vector<16xi32> to vector<16x1xi32>
        %gather3A = vector.shape_cast %broadcast_in_dim3A_400 : vector<16x1xi32> to vector<16xi32>
        %gather3A_401 = tpu.dynamic_gather %add3A_392[%gather3A] in [0] : vector<16xf32>, vector<16xi32> -> vector<16xf32>
        %add3A_402 = arith.addf %add3A_392, %gather3A_401 : vector<16xf32>
        %xor3A_403 = arith.constant 4 : i32
        %xor3A_404 = vector.broadcast %xor3A_403 : i32 to vector<16xi32>
        %xor3A_405 = arith.xori %iota3A, %xor3A_404 : vector<16xi32>
        %lt3A_406 = arith.constant 0 : i32
        %lt3A_407 = vector.broadcast %lt3A_406 : i32 to vector<16xi32>
        %lt3A_408 = arith.cmpi slt, %xor3A_405, %lt3A_407 : vector<16xi32>
        %add3A_409 = arith.constant 16 : i32
        %add3A_410 = vector.broadcast %add3A_409 : i32 to vector<16xi32>
        %add3A_411 = arith.addi %xor3A_405, %add3A_410 : vector<16xi32>
        %select_n3A_412 = arith.select %lt3A_408, %add3A_411, %xor3A_405 : vector<16xi1>, vector<16xi32>
        %broadcast_in_dim3A_413 = vector.shape_cast %select_n3A_412 : vector<16xi32> to vector<16x1xi32>
        %gather3A_414 = vector.shape_cast %broadcast_in_dim3A_413 : vector<16x1xi32> to vector<16xi32>
        %gather3A_415 = tpu.dynamic_gather %add3A_402[%gather3A_414] in [0] : vector<16xf32>, vector<16xi32> -> vector<16xf32>
        %add3A_416 = arith.addf %add3A_402, %gather3A_415 : vector<16xf32>
        %xor3A_417 = arith.constant 2 : i32
        %xor3A_418 = vector.broadcast %xor3A_417 : i32 to vector<16xi32>
        %xor3A_419 = arith.xori %iota3A, %xor3A_418 : vector<16xi32>
        %lt3A_420 = arith.constant 0 : i32
        %lt3A_421 = vector.broadcast %lt3A_420 : i32 to vector<16xi32>
        %lt3A_422 = arith.cmpi slt, %xor3A_419, %lt3A_421 : vector<16xi32>
        %add3A_423 = arith.constant 16 : i32
        %add3A_424 = vector.broadcast %add3A_423 : i32 to vector<16xi32>
        %add3A_425 = arith.addi %xor3A_419, %add3A_424 : vector<16xi32>
        %select_n3A_426 = arith.select %lt3A_422, %add3A_425, %xor3A_419 : vector<16xi1>, vector<16xi32>
        %broadcast_in_dim3A_427 = vector.shape_cast %select_n3A_426 : vector<16xi32> to vector<16x1xi32>
        %gather3A_428 = vector.shape_cast %broadcast_in_dim3A_427 : vector<16x1xi32> to vector<16xi32>
        %gather3A_429 = tpu.dynamic_gather %add3A_416[%gather3A_428] in [0] : vector<16xf32>, vector<16xi32> -> vector<16xf32>
        %add3A_430 = arith.addf %add3A_416, %gather3A_429 : vector<16xf32>
        %xor3A_431 = arith.constant 1 : i32
        %xor3A_432 = vector.broadcast %xor3A_431 : i32 to vector<16xi32>
        %xor3A_433 = arith.xori %iota3A, %xor3A_432 : vector<16xi32>
        %lt3A_434 = arith.constant 0 : i32
        %lt3A_435 = vector.broadcast %lt3A_434 : i32 to vector<16xi32>
        %lt3A_436 = arith.cmpi slt, %xor3A_433, %lt3A_435 : vector<16xi32>
        %add3A_437 = arith.constant 16 : i32
        %add3A_438 = vector.broadcast %add3A_437 : i32 to vector<16xi32>
        %add3A_439 = arith.addi %xor3A_433, %add3A_438 : vector<16xi32>
        %select_n3A_440 = arith.select %lt3A_436, %add3A_439, %xor3A_433 : vector<16xi1>, vector<16xi32>
        %broadcast_in_dim3A_441 = vector.shape_cast %select_n3A_440 : vector<16xi32> to vector<16x1xi32>
        %gather3A_442 = vector.shape_cast %broadcast_in_dim3A_441 : vector<16x1xi32> to vector<16xi32>
        %gather3A_443 = tpu.dynamic_gather %add3A_430[%gather3A_442] in [0] : vector<16xf32>, vector<16xi32> -> vector<16xf32>
        %add3A_444 = arith.addf %add3A_430, %gather3A_443 : vector<16xf32>
        %mul3A_445 = arith.constant 2.000000e-01 : f32
        %mul3A_446 = vector.broadcast %mul3A_445 : f32 to vector<16xf32>
        %mul3A_447 = arith.mulf %mul3A_446, %add3A_444 : vector<16xf32>
        %max3A = arith.maximumf %add3A_444, %mul3A_447 : vector<16xf32>
        %get3A_448 = arith.constant 3 : i32
        %get3A_449 = arith.index_cast %get3A_448 : i32 to index
        %get3A_450 = arith.index_cast %mul3A_371 : i32 to index
        %get3A_451 = tpu.vector_load %arg9[%get3A_449, %get3A_450] {strides = array<i32>} : memref<6x128xi32, #tpu.memory_space<vmem>>, vector<1x16xi32>,
        %get3A_452 = vector.shape_cast %get3A_451 : vector<1x16xi32> to vector<16xi32>
        %slice3A = vector.extract_strided_slice %get3A_452 {offsets = [0], sizes = [1], strides = [1]} : vector<16xi32> to vector<1xi32>
        %squeeze3A = vector.extract %slice3A[0] : i32 from vector<1xi32>
        %get3A_453 = arith.constant 4 : i32
        %get3A_454 = arith.index_cast %get3A_453 : i32 to index
        %get3A_455 = arith.index_cast %mul3A_371 : i32 to index
        %get3A_456 = tpu.vector_load %arg9[%get3A_454, %get3A_455] {strides = array<i32>} : memref<6x128xi32, #tpu.memory_space<vmem>>, vector<1x16xi32>,
        %get3A_457 = vector.shape_cast %get3A_456 : vector<1x16xi32> to vector<16xi32>
        %slice3A_458 = vector.extract_strided_slice %get3A_457 {offsets = [0], sizes = [1], strides = [1]} : vector<16xi32> to vector<1xi32>
        %squeeze3A_459 = vector.extract %slice3A_458[0] : i32 from vector<1xi32>
        %get3A_460 = arith.index_cast %squeeze3A : i32 to index
        %get3A_461 = tpu.vector_load %arg7[%get3A_460] {strides = array<i32>} : memref<10016xf32, #tpu.memory_space<vmem>>, vector<16xf32>,
        %get3A_462 = vector.shape_cast %get3A_461 : vector<16xf32> to vector<16xf32>
        %slice3A_463 = vector.extract_strided_slice %get3A_462 {offsets = [0], sizes = [1], strides = [1]} : vector<16xf32> to vector<1xf32>
        %squeeze3A_464 = vector.extract %slice3A_463[0] : f32 from vector<1xf32>
        %get3A_465 = arith.index_cast %squeeze3A_459 : i32 to index
        %get3A_466 = tpu.vector_load %arg7[%get3A_465] {strides = array<i32>} : memref<10016xf32, #tpu.memory_space<vmem>>, vector<16xf32>,
        %get3A_467 = vector.shape_cast %get3A_466 : vector<16xf32> to vector<16xf32>
        %slice3A_468 = vector.extract_strided_slice %get3A_467 {offsets = [0], sizes = [1], strides = [1]} : vector<16xf32> to vector<1xf32>
        %squeeze3A_469 = vector.extract %slice3A_468[0] : f32 from vector<1xf32>
        %mul3A_470 = arith.constant 128 : i32
        %mul3A_471 = arith.muli %add3A_231, %mul3A_470 : i32
        %add3A_472 = arith.addi %mul3A_471, %mul3A_371 : i32
        %lt3A_473 = arith.constant 20096 : i32
        %lt3A_474 = arith.cmpi slt, %add3A_472, %lt3A_473 : i32
        %add3A_475 = arith.addi %mul3A_29, %add3A_472 : i32
        %lt3A_476 = arith.constant 640000 : i32
        %lt3A_477 = arith.cmpi slt, %add3A_475, %lt3A_476 : i32
        %and3A = arith.andi %lt3A_474, %lt3A_477 : i1
        %add3A_478 = arith.addf %squeeze3A_464, %squeeze3A_469 : f32
        %broadcast_in_dim3A_479 = vector.broadcast %add3A_478 : f32 to vector<16xf32>
        %add3A_480 = arith.addf %max3A, %broadcast_in_dim3A_479 : vector<16xf32>
        %broadcast_in_dim3A_481 = arith.constant -3.000000e+08 : f32
        %broadcast_in_dim3A_482 = vector.broadcast %broadcast_in_dim3A_481 : f32 to vector<16xf32>
        %select_n3A_483 = arith.select %and3A, %add3A_480, %broadcast_in_dim3A_482 : vector<16xf32>
        %exp3A = math.exp %select_n3A_483 : vector<16xf32>
        %mul3A_484 = arith.mulf %get3A_375, %exp3A : vector<16xf32>
        %swap3A_485 = arith.index_cast %mul3A_371 : i32 to index
        %swap3A_486 = arith.constant 0 : index
        %swap3A_487 = tpu.vector_load %arg15[%swap3A_485, %swap3A_486] {strides = array<i32>} : memref<128x32xf32, #tpu.memory_space<vmem>>, vector<1x16xf32>,
        %swap3A_488 = vector.shape_cast %swap3A_487 : vector<1x16xf32> to vector<16xf32>
        %swap3A_489 = vector.shape_cast %mul3A_484 : vector<16xf32> to vector<1x16xf32>
        tpu.vector_store %arg15[%swap3A_485, %swap3A_486], %swap3A_489 {strides = array<i32>} : memref<128x32xf32, #tpu.memory_space<vmem>>, vector<1x16xf32>,
        %get3A_490 = arith.constant 2 : i32
        %get3A_491 = arith.index_cast %get3A_490 : i32 to index
        %get3A_492 = arith.constant 0 : index
        %get3A_493 = tpu.vector_load %arg18[%get3A_491, %get3A_492] {strides = array<i32>} : memref<4x16xf32, #tpu.memory_space<vmem>>, vector<1x16xf32>,
        %get3A_494 = vector.shape_cast %get3A_493 : vector<1x16xf32> to vector<16xf32>
        %mul3A_495 = arith.mulf %get3A_494, %exp3A : vector<16xf32>
        %swap3A_496 = arith.index_cast %mul3A_371 : i32 to index
        %swap3A_497 = arith.constant 16 : index
        %swap3A_498 = tpu.vector_load %arg15[%swap3A_496, %swap3A_497] {strides = array<i32>} : memref<128x32xf32, #tpu.memory_space<vmem>>, vector<1x16xf32>,
        %swap3A_499 = vector.shape_cast %swap3A_498 : vector<1x16xf32> to vector<16xf32>
        %swap3A_500 = vector.shape_cast %mul3A_495 : vector<16xf32> to vector<1x16xf32>
        tpu.vector_store %arg15[%swap3A_496, %swap3A_497], %swap3A_500 {strides = array<i32>} : memref<128x32xf32, #tpu.memory_space<vmem>>, vector<1x16xf32>,
        %mul3A_501 = arith.constant 2 : i32
        %mul3A_502 = arith.muli %mul3A_501, %scan3A_368 : i32
        %add3A_503 = arith.constant 1 : i32
        %add3A_504 = arith.addi %mul3A_502, %add3A_503 : i32
        %iota3A_505 = tpu.iota {dimensions = array<i32: 0>} : vector<16xi32>
        %get3A_506 = arith.index_cast %add3A_504 : i32 to index
        %get3A_507 = arith.constant 0 : index
        %get3A_508 = tpu.vector_load %arg11[%get3A_506, %get3A_507] {strides = array<i32>} : memref<128x16xf32, #tpu.memory_space<vmem>>, vector<1x16xf32>,
        %get3A_509 = vector.shape_cast %get3A_508 : vector<1x16xf32> to vector<16xf32>
        %get3A_510 = arith.index_cast %add3A_504 : i32 to index
        %get3A_511 = arith.constant 0 : index
        %get3A_512 = tpu.vector_load %arg13[%get3A_510, %get3A_511] {strides = array<i32>} : memref<128x16xf32, #tpu.memory_space<vmem>>, vector<1x16xf32>,
        %get3A_513 = vector.shape_cast %get3A_512 : vector<1x16xf32> to vector<16xf32>
        %get3A_514 = arith.constant 0 : i32
        %get3A_515 = arith.index_cast %get3A_514 : i32 to index
        %get3A_516 = arith.constant 0 : index
        %get3A_517 = tpu.vector_load %arg18[%get3A_515, %get3A_516] {strides = array<i32>} : memref<4x16xf32, #tpu.memory_space<vmem>>, vector<1x16xf32>,
        %get3A_518 = vector.shape_cast %get3A_517 : vector<1x16xf32> to vector<16xf32>
        %mul3A_519 = arith.mulf %get3A_513, %get3A_518 : vector<16xf32>
        %get3A_520 = arith.constant 1 : i32
        %get3A_521 = arith.index_cast %get3A_520 : i32 to index
        %get3A_522 = arith.constant 0 : index
        %get3A_523 = tpu.vector_load %arg18[%get3A_521, %get3A_522] {strides = array<i32>} : memref<4x16xf32, #tpu.memory_space<vmem>>, vector<1x16xf32>,
        %get3A_524 = vector.shape_cast %get3A_523 : vector<1x16xf32> to vector<16xf32>
        %mul3A_525 = arith.mulf %get3A_509, %get3A_524 : vector<16xf32>
        %add3A_526 = arith.addf %mul3A_519, %mul3A_525 : vector<16xf32>
        %xor3A_527 = arith.constant 8 : i32
        %xor3A_528 = vector.broadcast %xor3A_527 : i32 to vector<16xi32>
        %xor3A_529 = arith.xori %iota3A_505, %xor3A_528 : vector<16xi32>
        %lt3A_530 = arith.constant 0 : i32
        %lt3A_531 = vector.broadcast %lt3A_530 : i32 to vector<16xi32>
        %lt3A_532 = arith.cmpi slt, %xor3A_529, %lt3A_531 : vector<16xi32>
        %add3A_533 = arith.constant 16 : i32
        %add3A_534 = vector.broadcast %add3A_533 : i32 to vector<16xi32>
        %add3A_535 = arith.addi %xor3A_529, %add3A_534 : vector<16xi32>
        %select_n3A_536 = arith.select %lt3A_532, %add3A_535, %xor3A_529 : vector<16xi1>, vector<16xi32>
        %broadcast_in_dim3A_537 = vector.shape_cast %select_n3A_536 : vector<16xi32> to vector<16x1xi32>
        %gather3A_538 = vector.shape_cast %broadcast_in_dim3A_537 : vector<16x1xi32> to vector<16xi32>
        %gather3A_539 = tpu.dynamic_gather %add3A_526[%gather3A_538] in [0] : vector<16xf32>, vector<16xi32> -> vector<16xf32>
        %add3A_540 = arith.addf %add3A_526, %gather3A_539 : vector<16xf32>
        %xor3A_541 = arith.constant 4 : i32
        %xor3A_542 = vector.broadcast %xor3A_541 : i32 to vector<16xi32>
        %xor3A_543 = arith.xori %iota3A_505, %xor3A_542 : vector<16xi32>
        %lt3A_544 = arith.constant 0 : i32
        %lt3A_545 = vector.broadcast %lt3A_544 : i32 to vector<16xi32>
        %lt3A_546 = arith.cmpi slt, %xor3A_543, %lt3A_545 : vector<16xi32>
        %add3A_547 = arith.constant 16 : i32
        %add3A_548 = vector.broadcast %add3A_547 : i32 to vector<16xi32>
        %add3A_549 = arith.addi %xor3A_543, %add3A_548 : vector<16xi32>
        %select_n3A_550 = arith.select %lt3A_546, %add3A_549, %xor3A_543 : vector<16xi1>, vector<16xi32>
        %broadcast_in_dim3A_551 = vector.shape_cast %select_n3A_550 : vector<16xi32> to vector<16x1xi32>
        %gather3A_552 = vector.shape_cast %broadcast_in_dim3A_551 : vector<16x1xi32> to vector<16xi32>
        %gather3A_553 = tpu.dynamic_gather %add3A_540[%gather3A_552] in [0] : vector<16xf32>, vector<16xi32> -> vector<16xf32>
        %add3A_554 = arith.addf %add3A_540, %gather3A_553 : vector<16xf32>
        %xor3A_555 = arith.constant 2 : i32
        %xor3A_556 = vector.broadcast %xor3A_555 : i32 to vector<16xi32>
        %xor3A_557 = arith.xori %iota3A_505, %xor3A_556 : vector<16xi32>
        %lt3A_558 = arith.constant 0 : i32
        %lt3A_559 = vector.broadcast %lt3A_558 : i32 to vector<16xi32>
        %lt3A_560 = arith.cmpi slt, %xor3A_557, %lt3A_559 : vector<16xi32>
        %add3A_561 = arith.constant 16 : i32
        %add3A_562 = vector.broadcast %add3A_561 : i32 to vector<16xi32>
        %add3A_563 = arith.addi %xor3A_557, %add3A_562 : vector<16xi32>
        %select_n3A_564 = arith.select %lt3A_560, %add3A_563, %xor3A_557 : vector<16xi1>, vector<16xi32>
        %broadcast_in_dim3A_565 = vector.shape_cast %select_n3A_564 : vector<16xi32> to vector<16x1xi32>
        %gather3A_566 = vector.shape_cast %broadcast_in_dim3A_565 : vector<16x1xi32> to vector<16xi32>
        %gather3A_567 = tpu.dynamic_gather %add3A_554[%gather3A_566] in [0] : vector<16xf32>, vector<16xi32> -> vector<16xf32>
        %add3A_568 = arith.addf %add3A_554, %gather3A_567 : vector<16xf32>
        %xor3A_569 = arith.constant 1 : i32
        %xor3A_570 = vector.broadcast %xor3A_569 : i32 to vector<16xi32>
        %xor3A_571 = arith.xori %iota3A_505, %xor3A_570 : vector<16xi32>
        %lt3A_572 = arith.constant 0 : i32
        %lt3A_573 = vector.broadcast %lt3A_572 : i32 to vector<16xi32>
        %lt3A_574 = arith.cmpi slt, %xor3A_571, %lt3A_573 : vector<16xi32>
        %add3A_575 = arith.constant 16 : i32
        %add3A_576 = vector.broadcast %add3A_575 : i32 to vector<16xi32>
        %add3A_577 = arith.addi %xor3A_571, %add3A_576 : vector<16xi32>
        %select_n3A_578 = arith.select %lt3A_574, %add3A_577, %xor3A_571 : vector<16xi1>, vector<16xi32>
        %broadcast_in_dim3A_579 = vector.shape_cast %select_n3A_578 : vector<16xi32> to vector<16x1xi32>
        %gather3A_580 = vector.shape_cast %broadcast_in_dim3A_579 : vector<16x1xi32> to vector<16xi32>
        %gather3A_581 = tpu.dynamic_gather %add3A_568[%gather3A_580] in [0] : vector<16xf32>, vector<16xi32> -> vector<16xf32>
        %add3A_582 = arith.addf %add3A_568, %gather3A_581 : vector<16xf32>
        %mul3A_583 = arith.constant 2.000000e-01 : f32
        %mul3A_584 = vector.broadcast %mul3A_583 : f32 to vector<16xf32>
        %mul3A_585 = arith.mulf %mul3A_584, %add3A_582 : vector<16xf32>
        %max3A_586 = arith.maximumf %add3A_582, %mul3A_585 : vector<16xf32>
        %get3A_587 = arith.constant 3 : i32
        %get3A_588 = arith.index_cast %get3A_587 : i32 to index
        %get3A_589 = arith.index_cast %add3A_504 : i32 to index
        %get3A_590 = tpu.vector_load %arg9[%get3A_588, %get3A_589] {strides = array<i32>} : memref<6x128xi32, #tpu.memory_space<vmem>>, vector<1x16xi32>,
        %get3A_591 = vector.shape_cast %get3A_590 : vector<1x16xi32> to vector<16xi32>
        %slice3A_592 = vector.extract_strided_slice %get3A_591 {offsets = [0], sizes = [1], strides = [1]} : vector<16xi32> to vector<1xi32>
        %squeeze3A_593 = vector.extract %slice3A_592[0] : i32 from vector<1xi32>
        %get3A_594 = arith.constant 4 : i32
        %get3A_595 = arith.index_cast %get3A_594 : i32 to index
        %get3A_596 = arith.index_cast %add3A_504 : i32 to index
        %get3A_597 = tpu.vector_load %arg9[%get3A_595, %get3A_596] {strides = array<i32>} : memref<6x128xi32, #tpu.memory_space<vmem>>, vector<1x16xi32>,
        %get3A_598 = vector.shape_cast %get3A_597 : vector<1x16xi32> to vector<16xi32>
        %slice3A_599 = vector.extract_strided_slice %get3A_598 {offsets = [0], sizes = [1], strides = [1]} : vector<16xi32> to vector<1xi32>
        %squeeze3A_600 = vector.extract %slice3A_599[0] : i32 from vector<1xi32>
        %get3A_601 = arith.index_cast %squeeze3A_593 : i32 to index
        %get3A_602 = tpu.vector_load %arg7[%get3A_601] {strides = array<i32>} : memref<10016xf32, #tpu.memory_space<vmem>>, vector<16xf32>,
        %get3A_603 = vector.shape_cast %get3A_602 : vector<16xf32> to vector<16xf32>
        %slice3A_604 = vector.extract_strided_slice %get3A_603 {offsets = [0], sizes = [1], strides = [1]} : vector<16xf32> to vector<1xf32>
        %squeeze3A_605 = vector.extract %slice3A_604[0] : f32 from vector<1xf32>
        %get3A_606 = arith.index_cast %squeeze3A_600 : i32 to index
        %get3A_607 = tpu.vector_load %arg7[%get3A_606] {strides = array<i32>} : memref<10016xf32, #tpu.memory_space<vmem>>, vector<16xf32>,
        %get3A_608 = vector.shape_cast %get3A_607 : vector<16xf32> to vector<16xf32>
        %slice3A_609 = vector.extract_strided_slice %get3A_608 {offsets = [0], sizes = [1], strides = [1]} : vector<16xf32> to vector<1xf32>
        %squeeze3A_610 = vector.extract %slice3A_609[0] : f32 from vector<1xf32>
        %mul3A_611 = arith.constant 128 : i32
        %mul3A_612 = arith.muli %add3A_231, %mul3A_611 : i32
        %add3A_613 = arith.addi %mul3A_612, %add3A_504 : i32
        %lt3A_614 = arith.constant 20096 : i32
        %lt3A_615 = arith.cmpi slt, %add3A_613, %lt3A_614 : i32
        %add3A_616 = arith.addi %mul3A_29, %add3A_613 : i32
        %lt3A_617 = arith.constant 640000 : i32
        %lt3A_618 = arith.cmpi slt, %add3A_616, %lt3A_617 : i32
        %and3A_619 = arith.andi %lt3A_615, %lt3A_618 : i1
        %add3A_620 = arith.addf %squeeze3A_605, %squeeze3A_610 : f32
        %broadcast_in_dim3A_621 = vector.broadcast %add3A_620 : f32 to vector<16xf32>
        %add3A_622 = arith.addf %max3A_586, %broadcast_in_dim3A_621 : vector<16xf32>
        %broadcast_in_dim3A_623 = arith.constant -3.000000e+08 : f32
        %broadcast_in_dim3A_624 = vector.broadcast %broadcast_in_dim3A_623 : f32 to vector<16xf32>
        %select_n3A_625 = arith.select %and3A_619, %add3A_622, %broadcast_in_dim3A_624 : vector<16xf32>
        %exp3A_626 = math.exp %select_n3A_625 : vector<16xf32>
        %mul3A_627 = arith.mulf %get3A_509, %exp3A_626 : vector<16xf32>
        %swap3A_628 = arith.index_cast %add3A_504 : i32 to index
        %swap3A_629 = arith.constant 0 : index
        %swap3A_630 = tpu.vector_load %arg15[%swap3A_628, %swap3A_629] {strides = array<i32>} : memref<128x32xf32, #tpu.memory_space<vmem>>, vector<1x16xf32>,
        %swap3A_631 = vector.shape_cast %swap3A_630 : vector<1x16xf32> to vector<16xf32>
        %swap3A_632 = vector.shape_cast %mul3A_627 : vector<16xf32> to vector<1x16xf32>
        tpu.vector_store %arg15[%swap3A_628, %swap3A_629], %swap3A_632 {strides = array<i32>} : memref<128x32xf32, #tpu.memory_space<vmem>>, vector<1x16xf32>,
        %get3A_633 = arith.constant 2 : i32
        %get3A_634 = arith.index_cast %get3A_633 : i32 to index
        %get3A_635 = arith.constant 0 : index
        %get3A_636 = tpu.vector_load %arg18[%get3A_634, %get3A_635] {strides = array<i32>} : memref<4x16xf32, #tpu.memory_space<vmem>>, vector<1x16xf32>,
        %get3A_637 = vector.shape_cast %get3A_636 : vector<1x16xf32> to vector<16xf32>
        %mul3A_638 = arith.mulf %get3A_637, %exp3A_626 : vector<16xf32>
        %swap3A_639 = arith.index_cast %add3A_504 : i32 to index
        %swap3A_640 = arith.constant 16 : index
        %swap3A_641 = tpu.vector_load %arg15[%swap3A_639, %swap3A_640] {strides = array<i32>} : memref<128x32xf32, #tpu.memory_space<vmem>>, vector<1x16xf32>,
        %swap3A_642 = vector.shape_cast %swap3A_641 : vector<1x16xf32> to vector<16xf32>
        %swap3A_643 = vector.shape_cast %mul3A_638 : vector<16xf32> to vector<1x16xf32>
        tpu.vector_store %arg15[%swap3A_639, %swap3A_640], %swap3A_643 {strides = array<i32>} : memref<128x32xf32, #tpu.memory_space<vmem>>, vector<1x16xf32>,
        %scan3A_644 = arith.constant 0 : i32
        scf.yield %scan3A_644 : i32
      }
      %scan3A_281 = arith.constant 64 : i32
      %get3A_282 = arith.constant 2 : i32
      %get3A_283 = arith.index_cast %get3A_282 : i32 to index
      %get3A_284 = arith.constant 0 : index
      %get3A_285 = tpu.vector_load %arg9[%get3A_283, %get3A_284] {strides = array<i32>} : memref<6x128xi32, #tpu.memory_space<vmem>>, vector<1x16xi32>,
      %get3A_286 = vector.shape_cast %get3A_285 : vector<1x16xi32> to vector<16xi32>
      %swap3A_287 = arith.constant 0 : index
      %swap3A_288 = tpu.vector_load %arg17[%swap3A_287] {strides = array<i32>} : memref<128xi32, #tpu.memory_space<vmem>>, vector<16xi32>,
      %swap3A_289 = vector.shape_cast %swap3A_288 : vector<16xi32> to vector<16xi32>
      %swap3A_290 = vector.shape_cast %get3A_286 : vector<16xi32> to vector<16xi32>
      tpu.vector_store %arg17[%swap3A_287], %swap3A_290 {strides = array<i32>} : memref<128xi32, #tpu.memory_space<vmem>>, vector<16xi32>,
      %get3A_291 = arith.constant 2 : i32
      %get3A_292 = arith.index_cast %get3A_291 : i32 to index
      %get3A_293 = arith.constant 16 : index
      %get3A_294 = tpu.vector_load %arg9[%get3A_292, %get3A_293] {strides = array<i32>} : memref<6x128xi32, #tpu.memory_space<vmem>>, vector<1x16xi32>,
      %get3A_295 = vector.shape_cast %get3A_294 : vector<1x16xi32> to vector<16xi32>
      %swap3A_296 = arith.constant 16 : index
      %swap3A_297 = tpu.vector_load %arg17[%swap3A_296] {strides = array<i32>} : memref<128xi32, #tpu.memory_space<vmem>>, vector<16xi32>,
      %swap3A_298 = vector.shape_cast %swap3A_297 : vector<16xi32> to vector<16xi32>
      %swap3A_299 = vector.shape_cast %get3A_295 : vector<16xi32> to vector<16xi32>
      tpu.vector_store %arg17[%swap3A_296], %swap3A_299 {strides = array<i32>} : memref<128xi32, #tpu.memory_space<vmem>>, vector<16xi32>,
      %get3A_300 = arith.constant 2 : i32
      %get3A_301 = arith.index_cast %get3A_300 : i32 to index
      %get3A_302 = arith.constant 32 : index
      %get3A_303 = tpu.vector_load %arg9[%get3A_301, %get3A_302] {strides = array<i32>} : memref<6x128xi32, #tpu.memory_space<vmem>>, vector<1x16xi32>,
      %get3A_304 = vector.shape_cast %get3A_303 : vector<1x16xi32> to vector<16xi32>
      %swap3A_305 = arith.constant 32 : index
      %swap3A_306 = tpu.vector_load %arg17[%swap3A_305] {strides = array<i32>} : memref<128xi32, #tpu.memory_space<vmem>>, vector<16xi32>,
      %swap3A_307 = vector.shape_cast %swap3A_306 : vector<16xi32> to vector<16xi32>
      %swap3A_308 = vector.shape_cast %get3A_304 : vector<16xi32> to vector<16xi32>
      tpu.vector_store %arg17[%swap3A_305], %swap3A_308 {strides = array<i32>} : memref<128xi32, #tpu.memory_space<vmem>>, vector<16xi32>,
      %get3A_309 = arith.constant 2 : i32
      %get3A_310 = arith.index_cast %get3A_309 : i32 to index
      %get3A_311 = arith.constant 48 : index
      %get3A_312 = tpu.vector_load %arg9[%get3A_310, %get3A_311] {strides = array<i32>} : memref<6x128xi32, #tpu.memory_space<vmem>>, vector<1x16xi32>,
      %get3A_313 = vector.shape_cast %get3A_312 : vector<1x16xi32> to vector<16xi32>
      %swap3A_314 = arith.constant 48 : index
      %swap3A_315 = tpu.vector_load %arg17[%swap3A_314] {strides = array<i32>} : memref<128xi32, #tpu.memory_space<vmem>>, vector<16xi32>,
      %swap3A_316 = vector.shape_cast %swap3A_315 : vector<16xi32> to vector<16xi32>
      %swap3A_317 = vector.shape_cast %get3A_313 : vector<16xi32> to vector<16xi32>
      tpu.vector_store %arg17[%swap3A_314], %swap3A_317 {strides = array<i32>} : memref<128xi32, #tpu.memory_space<vmem>>, vector<16xi32>,
      %get3A_318 = arith.constant 2 : i32
      %get3A_319 = arith.index_cast %get3A_318 : i32 to index
      %get3A_320 = arith.constant 64 : index
      %get3A_321 = tpu.vector_load %arg9[%get3A_319, %get3A_320] {strides = array<i32>} : memref<6x128xi32, #tpu.memory_space<vmem>>, vector<1x16xi32>,
      %get3A_322 = vector.shape_cast %get3A_321 : vector<1x16xi32> to vector<16xi32>
      %swap3A_323 = arith.constant 64 : index
      %swap3A_324 = tpu.vector_load %arg17[%swap3A_323] {strides = array<i32>} : memref<128xi32, #tpu.memory_space<vmem>>, vector<16xi32>,
      %swap3A_325 = vector.shape_cast %swap3A_324 : vector<16xi32> to vector<16xi32>
      %swap3A_326 = vector.shape_cast %get3A_322 : vector<16xi32> to vector<16xi32>
      tpu.vector_store %arg17[%swap3A_323], %swap3A_326 {strides = array<i32>} : memref<128xi32, #tpu.memory_space<vmem>>, vector<16xi32>,
      %get3A_327 = arith.constant 2 : i32
      %get3A_328 = arith.index_cast %get3A_327 : i32 to index
      %get3A_329 = arith.constant 80 : index
      %get3A_330 = tpu.vector_load %arg9[%get3A_328, %get3A_329] {strides = array<i32>} : memref<6x128xi32, #tpu.memory_space<vmem>>, vector<1x16xi32>,
      %get3A_331 = vector.shape_cast %get3A_330 : vector<1x16xi32> to vector<16xi32>
      %swap3A_332 = arith.constant 80 : index
      %swap3A_333 = tpu.vector_load %arg17[%swap3A_332] {strides = array<i32>} : memref<128xi32, #tpu.memory_space<vmem>>, vector<16xi32>,
      %swap3A_334 = vector.shape_cast %swap3A_333 : vector<16xi32> to vector<16xi32>
      %swap3A_335 = vector.shape_cast %get3A_331 : vector<16xi32> to vector<16xi32>
      tpu.vector_store %arg17[%swap3A_332], %swap3A_335 {strides = array<i32>} : memref<128xi32, #tpu.memory_space<vmem>>, vector<16xi32>,
      %get3A_336 = arith.constant 2 : i32
      %get3A_337 = arith.index_cast %get3A_336 : i32 to index
      %get3A_338 = arith.constant 96 : index
      %get3A_339 = tpu.vector_load %arg9[%get3A_337, %get3A_338] {strides = array<i32>} : memref<6x128xi32, #tpu.memory_space<vmem>>, vector<1x16xi32>,
      %get3A_340 = vector.shape_cast %get3A_339 : vector<1x16xi32> to vector<16xi32>
      %swap3A_341 = arith.constant 96 : index
      %swap3A_342 = tpu.vector_load %arg17[%swap3A_341] {strides = array<i32>} : memref<128xi32, #tpu.memory_space<vmem>>, vector<16xi32>,
      %swap3A_343 = vector.shape_cast %swap3A_342 : vector<16xi32> to vector<16xi32>
      %swap3A_344 = vector.shape_cast %get3A_340 : vector<16xi32> to vector<16xi32>
      tpu.vector_store %arg17[%swap3A_341], %swap3A_344 {strides = array<i32>} : memref<128xi32, #tpu.memory_space<vmem>>, vector<16xi32>,
      %get3A_345 = arith.constant 2 : i32
      %get3A_346 = arith.index_cast %get3A_345 : i32 to index
      %get3A_347 = arith.constant 112 : index
      %get3A_348 = tpu.vector_load %arg9[%get3A_346, %get3A_347] {strides = array<i32>} : memref<6x128xi32, #tpu.memory_space<vmem>>, vector<1x16xi32>,
      %get3A_349 = vector.shape_cast %get3A_348 : vector<1x16xi32> to vector<16xi32>
      %swap3A_350 = arith.constant 112 : index
      %swap3A_351 = tpu.vector_load %arg17[%swap3A_350] {strides = array<i32>} : memref<128xi32, #tpu.memory_space<vmem>>, vector<16xi32>,
      %swap3A_352 = vector.shape_cast %swap3A_351 : vector<16xi32> to vector<16xi32>
      %swap3A_353 = vector.shape_cast %get3A_349 : vector<16xi32> to vector<16xi32>
      tpu.vector_store %arg17[%swap3A_350], %swap3A_353 {strides = array<i32>} : memref<128xi32, #tpu.memory_space<vmem>>, vector<16xi32>,
      %dma_start3A_354 = arith.constant 0 : i32
      %dma_start3A_355 = arith.constant 0 : i32
      %dma_start3A_356 = tpu.memref_slice %arg20[%dma_start3A_354, %dma_start3A_355] : memref<10000x32xf32, #tpu.memory_space<vmem_shared>> -> memref<10000x32xf32, #tpu.memory_space<vmem_shared>>
      tpu.enqueue_indirect_dma source(%arg15 : memref<128x32xf32, #tpu.memory_space<vmem>>) target(%dma_start3A_356 : memref<10000x32xf32, #tpu.memory_space<vmem_shared>>) offsets(%arg17 : memref<128xi32, #tpu.memory_space<vmem>>) semaphore(%arg28 : memref<!tpu.dma_semaphore, #tpu.memory_space<semaphore_mem>>) {add = true}
      %add3A_357 = arith.constant 2 : i32
      %add3A_358 = arith.addi %add3A_231, %add3A_357 : i32
      %dma_start3A_359 = arith.constant 0 : i32
      %dma_start3A_360 = arith.constant 0 : i32
      %dma_start3A_361 = tpu.memref_slice %arg3[%add3A, %add3A_358, %dma_start3A_359, %dma_start3A_360] : memref<32x160x6x128xi32, #tpu.memory_space<hbm>> -> memref<1x1x6x128xi32, #tpu.memory_space<hbm>>
      %dma_start3A_362 = tpu.memref_squeeze %dma_start3A_361 : memref<1x1x6x128xi32, #tpu.memory_space<hbm>> -> memref<6x128xi32, #tpu.memory_space<hbm>>
      %dma_start3A_363 = arith.constant 0 : i32
      %dma_start3A_364 = arith.constant 0 : i32
      %dma_start3A_365 = tpu.memref_slice %arg3[%add3A, %add3A_358, %dma_start3A_363, %dma_start3A_364] : memref<32x160x6x128xi32, #tpu.memory_space<hbm>> -> memref<1x1x6x128xi32, #tpu.memory_space<hbm>>
      %dma_start3A_366 = tpu.memref_squeeze %dma_start3A_365 : memref<1x1x6x128xi32, #tpu.memory_space<hbm>> -> memref<6x128xi32, #tpu.memory_space<hbm>>
      tpu.enqueue_dma source(%dma_start3A_366 : memref<6x128xi32, #tpu.memory_space<hbm>>) target(%arg9 : memref<6x128xi32, #tpu.memory_space<vmem>>) target_semaphore(%arg26 : memref<!tpu.dma_semaphore, #tpu.memory_space<semaphore_mem>>)
      %scan3A_367 = arith.constant 0 : i32
      scf.yield %scan3A_367 : i32
    }
    %scan3A_58 = arith.constant 79 : i32
    %dma_wait3A = arith.constant 0 : i32
    %dma_wait3A_59 = arith.constant 0 : i32
    %dma_wait3A_60 = tpu.memref_slice %arg20[%dma_wait3A, %dma_wait3A_59] : memref<10000x32xf32, #tpu.memory_space<vmem_shared>> -> memref<10000x32xf32, #tpu.memory_space<vmem_shared>>
    tpu.wait_indirect_dma semaphore(%arg27 : memref<!tpu.dma_semaphore, #tpu.memory_space<semaphore_mem>>) src(%arg14 : memref<128x32xf32, #tpu.memory_space<vmem>>) dst(%dma_wait3A_60 : memref<10000x32xf32, #tpu.memory_space<vmem_shared>>)
    %dma_wait3A_61 = arith.constant 0 : i32
    %dma_wait3A_62 = arith.constant 0 : i32
    %dma_wait3A_63 = tpu.memref_slice %arg20[%dma_wait3A_61, %dma_wait3A_62] : memref<10000x32xf32, #tpu.memory_space<vmem_shared>> -> memref<10000x32xf32, #tpu.memory_space<vmem_shared>>
    tpu.wait_indirect_dma semaphore(%arg28 : memref<!tpu.dma_semaphore, #tpu.memory_space<semaphore_mem>>) src(%arg15 : memref<128x32xf32, #tpu.memory_space<vmem>>) dst(%dma_wait3A_63 : memref<10000x32xf32, #tpu.memory_space<vmem_shared>>)
    %dma_wait3A_64 = arith.constant 0 : i32
    %dma_wait3A_65 = arith.constant 0 : i32
    %dma_wait3A_66 = arith.constant 0 : i32
    %dma_wait3A_67 = tpu.memref_slice %arg3[%add3A, %dma_wait3A_64, %dma_wait3A_65, %dma_wait3A_66] : memref<32x160x6x128xi32, #tpu.memory_space<hbm>> -> memref<1x1x6x128xi32, #tpu.memory_space<hbm>>
    %dma_wait3A_68 = tpu.memref_squeeze %dma_wait3A_67 : memref<1x1x6x128xi32, #tpu.memory_space<hbm>> -> memref<6x128xi32, #tpu.memory_space<hbm>>
    %dma_wait3A_69 = arith.constant 0 : i32
    %dma_wait3A_70 = arith.constant 0 : i32
    %dma_wait3A_71 = tpu.memref_slice %arg3[%add3A, %dma_wait3A_64, %dma_wait3A_69, %dma_wait3A_70] : memref<32x160x6x128xi32, #tpu.memory_space<hbm>> -> memref<1x1x6x128xi32, #tpu.memory_space<hbm>>
    %dma_wait3A_72 = tpu.memref_squeeze %dma_wait3A_71 : memref<1x1x6x128xi32, #tpu.memory_space<hbm>> -> memref<6x128xi32, #tpu.memory_space<hbm>>
    tpu.wait_dma2 semaphore(%arg26 : memref<!tpu.dma_semaphore, #tpu.memory_space<semaphore_mem>>) src(%dma_wait3A_72 : memref<6x128xi32, #tpu.memory_space<hbm>>) dst(%arg9 : memref<6x128xi32, #tpu.memory_space<vmem>>)
    %dma_wait3A_73 = arith.constant 0 : i32
    %dma_wait3A_74 = arith.constant 0 : i32
    %dma_wait3A_75 = tpu.memref_slice %arg8[%dma_wait3A_73, %dma_wait3A_74] : memref<6x128xi32, #tpu.memory_space<vmem>> -> memref<1x128xi32, #tpu.memory_space<vmem>>
    %dma_wait3A_76 = tpu.memref_squeeze %dma_wait3A_75 : memref<1x128xi32, #tpu.memory_space<vmem>> -> memref<128xi32, #tpu.memory_space<vmem>>
    %dma_wait3A_77 = arith.constant 0 : i32
    %dma_wait3A_78 = arith.constant 0 : i32
    %dma_wait3A_79 = tpu.memref_slice %arg2[%dma_wait3A_77, %dma_wait3A_78] : memref<1140000x16xf32, #tpu.memory_space<hbm>> -> memref<1140000x16xf32, #tpu.memory_space<hbm>>
    tpu.wait_indirect_dma semaphore(%arg21 : memref<!tpu.dma_semaphore, #tpu.memory_space<semaphore_mem>>) src(%dma_wait3A_79 : memref<1140000x16xf32, #tpu.memory_space<hbm>>) dst(%arg10 : memref<128x16xf32, #tpu.memory_space<vmem>>)
    %dma_wait3A_80 = arith.constant 1 : i32
    %dma_wait3A_81 = arith.constant 0 : i32
    %dma_wait3A_82 = tpu.memref_slice %arg8[%dma_wait3A_80, %dma_wait3A_81] : memref<6x128xi32, #tpu.memory_space<vmem>> -> memref<1x128xi32, #tpu.memory_space<vmem>>
    %dma_wait3A_83 = tpu.memref_squeeze %dma_wait3A_82 : memref<1x128xi32, #tpu.memory_space<vmem>> -> memref<128xi32, #tpu.memory_space<vmem>>
    %dma_wait3A_84 = arith.constant 0 : i32
    %dma_wait3A_85 = arith.constant 0 : i32
    %dma_wait3A_86 = tpu.memref_slice %arg2[%dma_wait3A_84, %dma_wait3A_85] : memref<1140000x16xf32, #tpu.memory_space<hbm>> -> memref<1140000x16xf32, #tpu.memory_space<hbm>>
    tpu.wait_indirect_dma semaphore(%arg22 : memref<!tpu.dma_semaphore, #tpu.memory_space<semaphore_mem>>) src(%dma_wait3A_86 : memref<1140000x16xf32, #tpu.memory_space<hbm>>) dst(%arg12 : memref<128x16xf32, #tpu.memory_space<vmem>>)
    %barrier3A_87 = arith.constant 0 : index
    tpu.barrier barrier_id(%barrier3A_87)
    %eq3A = arith.constant 0 : i32
    %eq3A_88 = arith.cmpi eq, %arg1, %eq3A : i32
    %convert_element_type3A = arith.extui %eq3A_88 : i1 to i32
    %cond3A = arith.constant 0 : i32
    %cond3A_89 = arith.cmpi ne, %convert_element_type3A, %cond3A : i32
    scf.if %cond3A_89 {
      "tpu.region"() ({
        %run_scoped3A_90 = tpu.sem_alloc : memref<!tpu.dma_semaphore, #tpu.memory_space<semaphore_mem>>
        %dma_start3A_91 = arith.constant 0 : i32
        %dma_start3A_92 = arith.constant 0 : i32
        %dma_start3A_93 = tpu.memref_slice %arg6[%arg0, %dma_start3A_91, %dma_start3A_92] : memref<2x10000x32xf32, #tpu.memory_space<hbm>> -> memref<1x10000x32xf32, #tpu.memory_space<hbm>>
        %dma_start3A_94 = tpu.memref_squeeze %dma_start3A_93 : memref<1x10000x32xf32, #tpu.memory_space<hbm>> -> memref<10000x32xf32, #tpu.memory_space<hbm>>
        tpu.enqueue_dma source(%arg20 : memref<10000x32xf32, #tpu.memory_space<vmem_shared>>) target(%dma_start3A_94 : memref<10000x32xf32, #tpu.memory_space<hbm>>) target_semaphore(%run_scoped3A_90 : memref<!tpu.dma_semaphore, #tpu.memory_space<semaphore_mem>>)
        %dma_wait3A_95 = arith.constant 0 : i32
        %dma_wait3A_96 = arith.constant 0 : i32
        %dma_wait3A_97 = tpu.memref_slice %arg6[%arg0, %dma_wait3A_95, %dma_wait3A_96] : memref<2x10000x32xf32, #tpu.memory_space<hbm>> -> memref<1x10000x32xf32, #tpu.memory_space<hbm>>
        %dma_wait3A_98 = tpu.memref_squeeze %dma_wait3A_97 : memref<1x10000x32xf32, #tpu.memory_space<hbm>> -> memref<10000x32xf32, #tpu.memory_space<hbm>>
        tpu.wait_dma2 semaphore(%run_scoped3A_90 : memref<!tpu.dma_semaphore, #tpu.memory_space<semaphore_mem>>) src(%arg20 : memref<10000x32xf32, #tpu.memory_space<vmem_shared>>) dst(%dma_wait3A_98 : memref<10000x32xf32, #tpu.memory_space<hbm>>)
        tpu.yield
      }) : () -> ()
    } else {
    }
    return
  }
}

</mosaic_0001>

<sc_bundles>
// kernel: _sc_edge.3.cloned.1.call-start
scs
__scs_entry_jumppad:
0x0: {  	(pc) =	sbr.rel $0x88, $3  }
0x1: {  	(tag) =	ssettag $0x0;
	lr =	simm.s32 $0x1  }
0x2: {  	[smem:$0x3F9D] =	sst lr;
	_ =	strace $0xD0000000  }
0x3: {  	_ = 	snop  }
0x4: {  	_ = 	snop  }
0x5: {  	_ = 	snop  }
0x6: {  	_ = 	snop  }
0x7: {  	_ = 	snop  }
__scs_overlays_trampoline_lowered:
0x8: {  	[smem:$0x3FAC] =	sst s0  }
0x9: {  	[smem:$0x3FAD] =	sst s1  }
0xa: {  	[smem:$0x3FAE] =	sst s2  }
0xb: {  	[smem:$0x3FAF] =	sst s3  }
0xc: {  	[smem:$0x3FB0] =	sst s4  }
0xd: {  	[smem:$0x3FB1] =	sst s5  }
0xe: {  	[smem:$0x3FB2] =	sst s6  }
0xf: {  	[smem:$0x3FB3] =	sst s7  }
0x10: {  	[smem:$0x3FB4] =	sst s8  }
0x11: {  	[smem:$0x3FB5] =	sst s9;
	s0 =	simm.s32 @!p0 $0x0  }
0x12: {  	s1 =	sld [smem:$0x3F9B];
	s0 =	simm.s32 @p0 $0x1  }
0x13: {  	[smem:$0x3FB6] =	sst s0;
	s0 =	simm.s32 @!p1 $0x0  }
0x14: {  	s2 =	sld [smem:$0x3F9A];
	s0 =	simm.s32 @p1 $0x1  }
0x15: {  	[smem:$0x3FB7] =	sst s0;
	s0 =	simm.s32 @!p2 $0x0  }
0x16: {  	s3 =	sld [smem:$0x3FDB];
	s0 =	simm.s32 @p2 $0x1  }
0x17: {  	s4 =	simm.s32 $0x1BF5;
	[smem:$0x3FB9] =	sst s0  }
0x18: {  	s0 =	sld [smem:$0x3F9C];
	_ =	swait.ge [sflag:s4], $0x0  }
0x19: {  	s7 =	sld [smem:$0x3F9D]  }
0x1a: {  	s8 =	sadd.s32 $0xFFFFE003, lr  }
0x1b: {  	s9 =	sadd.s32 $0xFFFFFEF7, lr;
	s5 =	simm.s32 $0xFFFFFFFF;
	p2 =	slt.u32 s8, $0xFFFFF086  }
0x1c: {  	p1 =	slt.u32 s9, $0xF7A;
	s5 =	simm.s32 @!p2 $0x0  }
0x1d: {  	s5 =	simm.s32 @p1 $0x1;
	p0 =	seq.s32 s7, s2  }
0x1e: {  	s7 =	smul.u32 @!p0 $0xF7A, s2;
	p2 =	seq.s32 @!p0 s5, $0x0  }
0x1f: {  	s9 =	smul.u32 $0xF7A, s1;
	s8 =	simm.s32 @!p0 $0x1BF5;
	p2 =	por !p2, p0  }
0x20: {  	[sflag:s8] =	ssyncset.s32 @!p0 $0xFFFFF086;
	s6 =	sadd.s32 @!p0 s3, s7;
	s7 =	simm.s32 @!p0 $0x108  }
0x21: {  	s3 =	sadd.s32 s3, s9;
	s6 =	sadd.s32 @!p0 $0x88, s6;
	s7 =	simm.s32 @p2 $0x1082  }
0x22: {  	[simem:s7], [sflag:s8] =	dma.local @!p0 [hbm:s6], $0xF7A  }
0x23: {  	s9 =	sor.u32 $0xD0000000, s2;
	s6 =	simm.s32 $0x108;
	_ =	swait.ge @!p0 [sflag:s8], $0x0  }
0x24: {  	s3 =	sadd.s32 $0x88, s3;
	s6 =	simm.s32 @!p1 $0x1082;
	[sflag:s4] =	ssyncset.s32 $0xFFFFF086  }
0x25: {  	[simem:s6], [sflag:s4] =	dma.local [hbm:s3], $0xF7A  }
0x26: {  	[smem:$0x3F9D] =	sst s1;
	(tag) =	ssettag s2;
	_ =	strace s9  }
0x27: {  	s1 =	sld [smem:$0x3FAD]  }
0x28: {  	s2 =	sld [smem:$0x3FAE]  }
0x29: {  	s4 =	sld [smem:$0x3FB0]  }
0x2a: {  	p0 =	seq.s32 s5, $0x0;
	s5 =	sld [smem:$0x3FB1]  }
0x2b: {  	s6 =	sld [smem:$0x3FB2]  }
0x2c: {  	s7 =	sld [smem:$0x3FB3]  }
0x2d: {  	s3 =	simm.s32 $0x108;
	s8 =	sld [smem:$0x3FB4]  }
0x2e: {  	s3 =	simm.s32 @!p0 $0x1082;
	s9 =	sld [smem:$0x3FB5]  }
0x2f: {  	lr =	sadd.s32 s0, s3;
	s0 =	sld [smem:$0x3FAC]  }
0x30: {  	s3 =	sld [smem:$0x3FAF]  }
0x31: {  	[smem:$0x3FB8] =	sst s10  }
0x32: {  	s10 =	sld [smem:$0x3FB6];
	_ =	sdelay $0x3  }
0x33: {  	p0 =	seq.s32 s10, $0x1;
	s10 =	sld [smem:$0x3FB8];
	_ =	sdelay $0x3  }
0x34: {  	[smem:$0x3FB8] =	sst s10  }
0x35: {  	s10 =	sld [smem:$0x3FB7];
	_ =	sdelay $0x3  }
0x36: {  	p1 =	seq.s32 s10, $0x1;
	s10 =	sld [smem:$0x3FB8];
	_ =	sdelay $0x3  }
0x37: {  	[smem:$0x3FB8] =	sst s10  }
0x38: {  	s10 =	sld [smem:$0x3FB9]  }
0x39: {  	_ = 	snop;
	(pc) =	sbr.ind lr, $3  }
0x3a: {  	_ = 	snop  }
0x3b: {  	_ = 	snop  }
0x3c: {  	p2 =	seq.s32 s10, $0x1;
	s10 =	sld [smem:$0x3FB8]  }
0x3d: {  	_ =	shalt  }
0x3e: {  	_ =	shalt  }
0x3f: {  	_ =	shalt  }
0x40: {  	_ =	shalt  }
0x41: {  	_ =	shalt  }
0x42: {  	_ =	shalt  }
0x43: {  	_ =	shalt  }
0x44: {  	_ =	shalt  }
0x45: {  	_ =	shalt  }
0x46: {  	_ =	shalt  }
0x47: {  	_ =	shalt  }
0x48: {  	_ =	shalt  }
0x49: {  	_ =	shalt  }
0x4a: {  	_ =	shalt  }
0x4b: {  	_ =	shalt  }
0x4c: {  	_ =	shalt  }
0x4d: {  	_ =	shalt  }
0x4e: {  	_ =	shalt  }
0x4f: {  	_ =	shalt  }
0x50: {  	_ =	shalt  }
0x51: {  	_ =	shalt  }
0x52: {  	_ =	shalt  }
0x53: {  	_ =	shalt  }
0x54: {  	_ =	shalt  }
0x55: {  	_ =	shalt  }
0x56: {  	_ =	shalt  }
0x57: {  	_ =	shalt  }
0x58: {  	_ =	shalt  }
0x59: {  	_ =	shalt  }
0x5a: {  	_ =	shalt  }
0x5b: {  	_ =	shalt  }
0x5c: {  	_ =	shalt  }
0x5d: {  	_ =	shalt  }
0x5e: {  	_ =	shalt  }
0x5f: {  	_ =	shalt  }
0x60: {  	_ =	shalt  }
0x61: {  	_ =	shalt  }
0x62: {  	_ =	shalt  }
0x63: {  	_ =	shalt  }
0x64: {  	_ =	shalt  }
0x65: {  	_ =	shalt  }
0x66: {  	_ =	shalt  }
0x67: {  	_ =	shalt  }
0x68: {  	_ =	shalt  }
0x69: {  	_ =	shalt  }
0x6a: {  	_ =	shalt  }
0x6b: {  	_ =	shalt  }
0x6c: {  	_ =	shalt  }
0x6d: {  	_ =	shalt  }
0x6e: {  	_ =	shalt  }
0x6f: {  	_ =	shalt  }
0x70: {  	_ =	shalt  }
0x71: {  	_ =	shalt  }
0x72: {  	_ =	shalt  }
0x73: {  	_ =	shalt  }
0x74: {  	_ =	shalt  }
0x75: {  	_ =	shalt  }
0x76: {  	_ =	shalt  }
0x77: {  	_ =	shalt  }
0x78: {  	_ =	shalt  }
0x79: {  	_ =	shalt  }
0x7a: {  	_ =	shalt  }
0x7b: {  	_ =	shalt  }
0x7c: {  	_ =	shalt  }
0x7d: {  	_ =	shalt  }
0x7e: {  	_ =	shalt  }
0x7f: {  	_ =	shalt  }
0x80: {  	_ =	shalt  }
0x81: {  	_ =	shalt  }
0x82: {  	_ =	shalt  }
0x83: {  	_ =	shalt  }
0x84: {  	_ =	shalt  }
0x85: {  	_ =	shalt  }
0x86: {  	_ =	shalt  }
0x87: {  	_ =	shalt  }
.Lfunc_end0:
.L_simem_size_0:
called_computation_lowered:
.L_overlay_start_0:
0x88: {  	s2 =	sld [smem:$0x3FD9]  }
0x89: {  	s3 =	sld [smem:$0x3FFE];
	_ =	sdelay $0x1  }
0x8a: {  	s1 =	srdreg.scid  }
0x8b: {  	s0 =	sand.u32 $0x1, s1  }
0x8c: {  	s17 =	sshll.u32 s0, $0xA;
	s2 =	sadd.s32 s3, s2  }
0x8d: {  	s2 =	sadd.s32 s2, s17  }
0x8e: {  	[smem:$0x3FC4] =	sst s2  }
0x8f: {  	_ = 	snop  }
0x90: {  	s2 =	sld [smem:$0x3FC7]  }
0x91: {  	s18 =	sld [smem:$0x3FD0];
	(tm) =	ssettm $0x1  }
0x92: {  	s4 =	sld [smem:$0x3FFB];
	_ =	sdelay $0x3  }
0x93: {  	_ =	strace s4  }
0x94: {  	s4 =	sld [smem:$0x3FFC];
	_ =	sdelay $0x3  }
0x95: {  	_ =	strace s4  }
0x96: {  	s4 =	sld [smem:$0x3FFD];
	_ =	sdelay $0x3  }
0x97: {  	_ =	strace s4  }
0x98: {  	_ =	strace $0x8FFFFFFF  }
0x99: {  	s19 =	sld [smem:$0x3FDB];
	_ =	sdelay $0x1  }
0x9a: {  	s5 =	simm.s32 $_scs_section_size  }
0x9b: {  	s6 =	simm.s32 $_size__tile_overlayer_lowered;
	s7 =	simm.s32 $_tile_overlayer_lowered  }
0x9c: {  	s22 =	simm.s32 $0x1BFF;
	s21 =	sshll.u32 s7, $0x1;
	s4 =	sadd.s32 s5, s19  }
0x9d: {  	s8 =	simm.s32 $0x0;
	s20 =	sshll.u32 s6, $0x1;
	s6 =	sadd.s32 s21, s4  }
0x9e: {  	[timem:s8], [sflag:s22] =	dma.local [hbm:s6], s20  }
0x9f: {  	_ =	swait.ge [sflag:s22], s20  }
0xa0: {  	s5 =	ssub.s32 $0x0, s20;
	[sflag:s22] =	ssyncset.done $0x0  }
0xa1: {  	[sflag:s22] =	ssyncadd.s32 s5;
	_ =	sdelay $0x1  }
0xa2: {  	s23 =	simm.s32 $0x1B8B  }
0xa3: {  	_ =	swait.ge [sflag:s23], $0x1  }
0xa4: {  	[sflag:s23] =	ssyncset.done $0x0  }
0xa5: {  	s25 =	simm.s32 $0x1B8E;
	s24 =	sld [smem:$0x3FFE];
	[sflag:s23] =	ssyncadd.s32 $0xFFFFFFFF  }
0xa6: {  	s26 =	simm.s32 $execute0_lowered;
	[smem:$0x3FD2] =	sst s25  }
0xa7: {  	s6 =	sshll.u32 s26, $0x1;
	_ =	strace $0x80000046;
	[dreg:$0x1] =	wrdreg $0xFFFFFFFF  }
0xa8: {  	s28 =	simm.s32 $_size_execute0_lowered;
	s4 =	sadd.s32 s4, s6;
	[dreg:$0x0] =	wrdreg $0x0  }
0xa9: {  	s6 =	sshll.u32 s28, $0x1;
	[dreg:$0x2] =	wrdreg s4  }
0xaa: {  	[dreg:$0x3] =	wrdreg s6  }
0xab: {  	[dreg:$0x4] =	wrdreg $0xC0  }
0xac: {  	_ =	task [dreg:s8], $0x5FFFF  }
0xad: {  	[dreg:$0x1] =	wrdreg $0xFFFFFFFF  }
0xae: {  	[dreg:$0x0] =	wrdreg $0x60  }
0xaf: {  	[dreg:$0x2] =	wrdreg s24  }
0xb0: {  	[dreg:$0x3] =	wrdreg s2  }
0xb1: {  	[dreg:$0x4] =	wrdreg s18  }
0xb2: {  	[dreg:$0x5] =	wrdreg $0x7E000  }
0xb3: {  	[dreg:$0x6] =	wrdreg $0x9  }
0xb4: {  	_ =	task.clear_ibuf [dreg:s8], $0x7FFFF;
	_ =	strace $0x90000046  }
0xb5: {  	s29 =	simm.s32 $0x9;
	_ =	strace $0x80000048  }
0xb6: {  	_ =	swait.ge [sflag:s29], $0x1  }
0xb7: {  	[sflag:s29] =	ssyncadd.s32 $0xFFFFFFFF  }
0xb8: {  	_ =	strace $0x90000048  }
0xb9: {  	_ =	sfence  }
0xba: {  	s30 =	sld [smem:$0x0];
	_ =	sdelay $0x2  }
0xbb: {  	s31 =	sshll.u32 s1, $0xD;
	s1 =	sshrl.u32 s1, $0x2  }
0xbc: {  	s3 =	sand.u32 $0x4000, s31;
	s1 =	sadd.s32 s1, s30  }
0xbd: {  	s0 =	sor.u32 s3, s0;
	s1 =	sshll.u32 s1, $0x11  }
0xbe: {  	s0 =	sor.u32 s1, s0  }
0xbf: {  	s0 =	sadd.s32 $0x8F2B, s0  }
0xc0: {  	[sflag:s0] =	ssyncadd.remote.s32 $0x1  }
0xc1: {  	_ =	sfence.sel $0xFFFF  }
0xc2: {  	[dreg:$0x0] =	wrdreg $0xFFFFFFFF;
	(pc) =	sbr.abs _section_cstart, $3  }
0xc3: {  	[dreg:$0x1] =	wrdreg $0xFFFFFFFF  }
0xc4: {  	_ =	task.clear_ibuf [dreg:s8], $0x2FFFF;
	_ =	strace $0x9FFFFFFF  }
0xc5: {  	(tm) =	ssettm $0x7FFFFFFF  }
tec
execute0_lowered:
.L_overlay_start_1:
0x0: {  	(tag) =	ssettag $0x1  }
0x1: {  	s0 =	rddreg [dreg:$0x0]  }
0x2: {  	s1 =	rddreg [dreg:$0x2]  }
0x3: {  	s14 =	rddreg [dreg:$0x3]  }
0x4: {  	s15 =	simm.s32 $0x0;
	s2 =	stileid.u32;
	s6 =	srdreg.scid  }
0x5: {  	s29 =	simm.s32 $0x2A20;
	s30 =	simm.s32 $0x1;
	s31 =	simm.s32 $0x2  }
0x6: {  	s12 =	simm.s32 $0x4;
	[smem:$0x7FF] =	sst s15;
	s7 =	smul.u32 $0x13880, s2  }
0x7: {  	s4 =	sadd.s32 $0x1165800, s0;
	s5 =	sadd.s32 $0x600, s0;
	s6 =	sand.u32 $0x1, s6  }
0x8: {  	s0 =	sadd.s32 $0x78600, s0;
	s26 =	smul.u32 $0x4E80, s2;
	p0 =	sne.s32 s2, $0x0  }
0x9: {  	_ =	strace $0x80000047;
	[dreg:$0x5] =	wrdreg s0;
	s13 =	sshll.u32 s6, $0x4  }
0xa: {  	s8 =	ssub.s32 $0x2, s6;
	s21 =	smul.u32 $0x9C40, s6;
	s7 =	sshrl.u32 s7, $0x2  }
0xb: {  	v0 =	vimm.s32 $0xFEDCBA98;
	v1 =	vimm.s32 $0x76543210;
	s24 =	smul.u32 $0x4E800, s6;
	s0 =	sor.u32 s2, s13;
	s3 =	sadd.s32 s7, s14  }
0xc: {  	v2 =	vimm.s32 $0xBA98FEDC;
	v3 =	vimm.s32 $0x32107654;
	s17 =	smul.u32 $0x1E000, s0;
	s1 =	sadd.s32 s1, s21;
	[dreg:$0x6] =	wrdreg s3  }
0xd: {  	v4 =	vimm.s32 $0xDCFE98BA;
	v5 =	vimm.s32 $0x54761032;
	s11 =	smul.u32 $0x4E80, s0;
	s0 =	sadd.s32 s26, s24;
	[dreg:$0xf] =	wrdreg s1  }
0xe: {  	v6 =	vimm.s32 $0xEFCDAB89;
	v7 =	vimm.s32 $0x67452301;
	s16 =	sshrl.u32 s8, $0x1;
	s9 =	sadd.s32 $0xFA0, s3;
	[dreg:$0x11] =	wrdreg s0  }
0xf: {  	v0 =	vunpack.c.l.s4.s8 v0;
	v1 =	vunpack.c.l.s4.s8 v1;
	v2 =	vunpack.c.l.s4.s8 v2;
	s7 =	ssub.s32 s8, s16;
	s10 =	sadd.s32 $0x1F40, s3;
	[dreg:$0x7] =	wrdreg s9  }
0x10: {  	v3 =	vunpack.c.l.s4.s8 v3;
	v4 =	vunpack.c.l.s4.s8 v4;
	v5 =	vunpack.c.l.s4.s8 v5;
	s21 =	simm.s32 $0x2720;
	s18 =	sadd.s32 $0x2EE0, s3;
	[dreg:$0x8] =	wrdreg s10  }
0x11: {  	v6 =	vunpack.c.l.s4.s8 v6;
	v7 =	vunpack.c.l.s4.s8 v7;
	v0 =	vunpack.c.0.s8.s32 v0;
	s24 =	simm.s32 $0x80;
	s19 =	sadd.s32 $0x3E80, s3;
	[dreg:$0x9] =	wrdreg s18  }
0x12: {  	v2 =	vunpack.c.0.s8.s32 v2;
	v3 =	vunpack.c.0.s8.s32 v3;
	v4 =	vunpack.c.0.s8.s32 v4;
	s28 =	smax.u32 s7, $0x1;
	s0 =	simm.s32 $0x6;
	[dreg:$0xa] =	wrdreg s19  }
0x13: {  	v5 =	vunpack.c.0.s8.s32 v5;
	v6 =	vunpack.c.0.s8.s32 v6;
	v7 =	vunpack.c.0.s8.s32 v7;
	s20 =	sshrl.u32 s17, $0x3;
	s23 =	sor.u32 $0x600, s17;
	[dreg:$0x10] =	wrdreg s28  }
0x14: {  	v1 =	vunpack.c.0.s8.s32 v1;
	v2 =	vcombine.low v3, v2;
	s25 =	sor.u32 $0x900, s17;
	s9 =	simm.s32 $0x9;
	[dreg:$0xc] =	wrdreg s23  }
0x15: {  	v3 =	vcombine.low v5, v4;
	v4 =	vand.u32 $0xF, v0;
	v5 =	vcombine.low v7, v6;
	s10 =	simm.s32 $0x3;
	s22 =	sadd.s32 s5, s20;
	[dreg:$0xd] =	wrdreg s25  }
0x16: {  	v0 =	vimm.f32 $0.0e+00;
	v1 =	vcombine.low v4, v1;
	s17 =	simm.s32 $0x5;
	[dreg:$0xb] =	wrdreg s22;
	s3 =	sadd.s32 $0x60, s22  }
0x17: {  	v2 =	vand.u32 $0xF, v2;
	v3 =	vand.u32 $0xF, v3;
	v4 =	vand.u32 $0xF, v5;
	s23 =	simm.s32 $0x0;
	[dreg:$0xe] =	wrdreg s3;
	s3 =	simm.s32 $0x0  }
.LBB2_1:
0x18: {  	s1 =	rddreg [dreg:$0x1]  }
0x19: {  	[tilespmem:s15], [sflag:$0x9] =	stream.linear.gather [hbm4b:s1+s15], $0x2720, $0x38;
	[tilespmem:$0xCC20] =	vst v63  }
0x1a: {  	_ =	swait.ge [sflag:s9], $0x2720  }
0x1b: {  	[sflag:s9] =	ssyncset.done $0x0  }
0x1c: {  	s2 =	simm.s32 $0x6E20;
	s28 =	rddreg [dreg:$0x5];
	[sflag:s9] =	ssyncadd.s32 $0xFFFFD8E0  }
0x1d: {  	[tilespmem:s2], [sflag:$0x9] =	stream.linear.gather [hbm4b:s28+s15], $0x40, $0x38;
	[tilespmem:$0xCC20] =	vst v63  }
0x1e: {  	_ =	swait.ge [sflag:s9], $0x40  }
0x1f: {  	[sflag:s9] =	ssyncset.done $0x0  }
0x20: {  	s1 =	simm.s32 $0x80;
	s2 =	simm.s32 $0x0;
	[sflag:s9] =	ssyncadd.s32 $0xFFFFFFC0  }
.LBB2_2:
0x21: {  	p1 =	sne.s32 s1, $0x3E00;
	[tilespmem:s2+$0x6E60] =	vst v0;
	s6 =	smov.u32 s1;
	s1 =	sadd.s32 $0x80, s1  }
.Ltmp0:
0x22: {  	[tilespmem:s2+$0x6E70] =	vst v0;
	(pc) =	sbr.rel @p1 .LBB2_2-.Ltmp0, $2  }
0x23: {  	_ =	sdelay $0x2  }
0x24: {  	s2 =	sshra.s32 s6, $0x2  }
0x25: {  	[dreg:$0x12] =	wrdreg s3;
	[tilespmem:s2+$0x6E60] =	vst v0  }
0x26: {  	[tilespmem:s2+$0x6E70] =	vst v0;
	s1 =	rddreg [dreg:$0x6];
	s8 =	simm.s32 $0x6E60  }
0x27: {  	[spmem:s1] =	stream.linear.scatter [tilespmem:s8], [sflag:$0x9], $0xFA0, $0x38;
	[tilespmem:$0xCC20] =	vst v63  }
0x28: {  	_ =	swait.ge [sflag:s9], $0xFA0  }
0x29: {  	[sflag:s9] =	ssyncset.done $0x0  }
0x2a: {  	s13 =	rddreg [dreg:$0x7];
	[sflag:s9] =	ssyncadd.s32 $0xFFFFF060  }
0x2b: {  	[spmem:s13] =	stream.linear.scatter [tilespmem:s8], [sflag:$0x9], $0xFA0, $0x38;
	[tilespmem:$0xCC20] =	vst v63  }
0x2c: {  	_ =	swait.ge [sflag:s9], $0xFA0  }
0x2d: {  	[sflag:s9] =	ssyncset.done $0x0  }
0x2e: {  	s16 =	rddreg [dreg:$0x8];
	[sflag:s9] =	ssyncadd.s32 $0xFFFFF060  }
0x2f: {  	[spmem:s16] =	stream.linear.scatter [tilespmem:s8], [sflag:$0x9], $0xFA0, $0x38;
	[tilespmem:$0xCC20] =	vst v63  }
0x30: {  	_ =	swait.ge [sflag:s9], $0xFA0  }
0x31: {  	[sflag:s9] =	ssyncset.done $0x0  }
0x32: {  	s18 =	rddreg [dreg:$0x9];
	[sflag:s9] =	ssyncadd.s32 $0xFFFFF060  }
0x33: {  	[spmem:s18] =	stream.linear.scatter [tilespmem:s8], [sflag:$0x9], $0xFA0, $0x38;
	[tilespmem:$0xCC20] =	vst v63  }
0x34: {  	_ =	swait.ge [sflag:s9], $0xFA0  }
0x35: {  	[sflag:s9] =	ssyncset.done $0x0  }
0x36: {  	s19 =	rddreg [dreg:$0xa];
	[sflag:s9] =	ssyncadd.s32 $0xFFFFF060  }
0x37: {  	[spmem:s19] =	stream.linear.scatter [tilespmem:s8], [sflag:$0x9], $0xFA0, $0x38;
	[tilespmem:$0xCC20] =	vst v63  }
0x38: {  	_ =	swait.ge [sflag:s9], $0xFA0  }
0x39: {  	[sflag:s9] =	ssyncset.done $0x0  }
0x3a: {  	[sflag:s9] =	ssyncadd.s32 $0xFFFFF060  }
0x3b: {  	[bflag:$0x0] =	sbarrier.arrive $0xFFFF  }
0x3c: {  	s20 =	rddreg [dreg:$0xb]  }
0x3d: {  	[tilespmem:s21], [sflag:$0x9] =	stream.linear.gather [hbm4b:s20+s23], $0x300, $0x38;
	[tilespmem:$0xCC20] =	vst v63  }
0x3e: {  	_ =	swait.ge [sflag:s9], $0x300  }
0x3f: {  	[sflag:s9] =	ssyncset.done $0x0  }
0x40: {  	s22 =	simm.s32 $0x2D20;
	[sflag:s9] =	ssyncadd.s32 $0xFFFFFD00  }
0x41: {  	[tilespmem:s22], [sflag:$0x1] =	stream.indirect.gather [hbm4b:s4+s24], $0x10, s21, s24, $0xb8;
	[tilespmem:$0xCC20] =	vst v63  }
0x42: {  	s25 =	simm.s32 $0x27A0;
	s26 =	simm.s32 $0x3D20;
	s28 =	rddreg [dreg:$0xe]  }
0x43: {  	[tilespmem:s26], [sflag:$0x2] =	stream.indirect.gather [hbm4b:s4+s24], $0x10, s25, s24, $0xb8;
	[tilespmem:$0xCC20] =	vst v63  }
0x44: {  	s7 =	simm.s32 $0x0;
	s20 =	simm.s32 $0x0;
	s13 =	rddreg [dreg:$0x11]  }
0x45: {  	[tilespmem:s29], [sflag:$0x6] =	stream.linear.gather [hbm4b:s28+s23], $0x300, $0x38;
	[tilespmem:$0xCC20] =	vst v63  }
.LBB2_4:
0x46: {  	_ =	swait.ge [sflag:s30], $0x800  }
0x47: {  	[sflag:s30] =	ssyncset.done $0x0  }
0x48: {  	[sflag:s30] =	ssyncadd.s32 $0xFFFFF800  }
0x49: {  	_ =	swait.ge [sflag:s31], $0x800  }
0x4a: {  	[sflag:s31] =	ssyncset.done $0x0  }
0x4b: {  	[sflag:s31] =	ssyncadd.s32 $0xFFFFF800  }
0x4c: {  	_ =	swait.ge [sflag:s0], $0x300  }
0x4d: {  	[sflag:s0] =	ssyncset.done $0x0  }
0x4e: {  	s1 =	simm.s32 $0x3520;
	p1 =	seq.s32 s7, $0x0;
	[sflag:s0] =	ssyncadd.s32 $0xFFFFFD00  }
0x4f: {  	[tilespmem:s1], [sflag:$0x3] =	stream.indirect.gather [hbm4b:s4+s24], $0x10, s29, s24, $0xb8;
	[tilespmem:$0xCC20] =	vst v63  }
0x50: {  	s22 =	simm.s32 $0x2AA0;
	s2 =	simm.s32 $0x4520;
	s1 =	simm.s32 @!p1 $0x7  }
0x51: {  	[tilespmem:s2], [sflag:$0x4] =	stream.indirect.gather [hbm4b:s4+s24], $0x10, s22, s24, $0xb8;
	[tilespmem:$0xCC20] =	vst v63  }
0x52: {  	s25 =	sand.u32 $0x78, s23;
	_ =	swait.ge @!p1 [sflag:s1], $0x1000  }
0x53: {  	s6 =	sand.u32 $0x6, s23;
	s8 =	sadd.s32 $0x28A0, s25;
	[sflag:s1] =	ssyncset.done @!p1 $0x0  }
0x54: {  	s26 =	sor.u32 s6, s8;
	s2 =	sadd.s32 $0x2920, s25;
	[sflag:s1] =	ssyncadd.s32 @!p1 $0xFFFFF000  }
0x55: {  	s6 =	sor.u32 s6, s2;
	v5 =	vld [tilespmem:s26+$0x0]  }
0x56: {  	v6 =	vld [tilespmem:s6+$0x0];
	_ =	sdelay $0x3  }
0x57: {  	(v2sf) =	vpush v5, $0x0  }
0x58: {  	(v2sf) =	vpush v6, $0x0;
	_ =	sdelay $0x7  }
0x59: {  	s16 =	simm.s32 $0x3D30;
	v7 =	vld [tilespmem:$0x6E20]  }
0x5a: {  	s28 =	simm.s32 $0x2D30;
	v8 =	vld [tilespmem:s16+$0xFFFFFFF0]  }
0x5b: {  	v5 =	vld [tilespmem:s28+$0xFFFFFFF0]  }
0x5c: {  	v6 =	vld [tilespmem:$0x6E30];
	_ =	sdelay $0x2  }
0x5d: {  	s3 =	spop (v2sf)  }
0x5e: {  	v9 =	vld [tilespmem:s3+$0x0];
	s9 =	spop (v2sf)  }
0x5f: {  	v7 =	vmul.f32 v7, v8;
	v6 =	vmul.f32 v6, v5;
	v8 =	vld [tilespmem:s9+$0x0];
	_ =	sdelay $0x1  }
0x60: {  	v6 =	vadd.f32 v6, v7;
	_ =	sdelay $0x1  }
0x61: {  	v7 =	vperm.xlane v6, v1;
	(v2sf) =	vpush v9, $0x0  }
0x62: {  	(v2sf) =	vpush v8, $0x0  }
0x63: {  	v6 =	vadd.f32 v6, v7;
	_ =	sdelay $0x1  }
0x64: {  	v7 =	vperm.xlane v6, v2;
	_ =	sdelay $0x1  }
0x65: {  	v6 =	vadd.f32 v6, v7;
	_ =	sdelay $0x1  }
0x66: {  	v7 =	vperm.xlane v6, v3;
	_ =	sdelay $0x1  }
0x67: {  	v6 =	vadd.f32 v6, v7;
	_ =	sdelay $0x1  }
0x68: {  	v7 =	vperm.xlane v6, v4;
	_ =	sdelay $0x1  }
0x69: {  	v6 =	vadd.f32 v6, v7  }
0x6a: {  	s18 =	spop (v2sf)  }
0x6b: {  	v7 =	vmul.f32 $2.000000030e-01, v6;
	s9 =	spop (v2sf)  }
0x6c: {  	s9 =	sadd.f32 s9, s18  }
0x6d: {  	v6 =	vmax.f32 v6, v7  }
0x6e: {  	s1 =	sshll.u32 s7, $0x8;
	v6 =	vadd.f32 s9, v6  }
0x6f: {  	s19 =	sor.u32 s1, s23  }
0x70: {  	s9 =	sadd.s32 s11, s19;
	v6 =	vmul.f32 $1.442695020e+00, v6  }
0x71: {  	p2 =	slt.u32 s9, $0x9C400  }
0x72: {  	v6 =	vpsel !p2, $0xCDCE6112, v6  }
0x73: {  	(erf) = vpow2.f32 v6;
	_ =	sdelay $0x8  }
0x74: {  	v6 =	vpop (erf)  }
0x75: {  	v5 =	vmul.f32 v6, v5  }
0x76: {  	s9 =	simm.s32 $0x4D40  }
0x77: {  	[tilespmem:s9+$0xFFFFFFE0] =	vst v5  }
0x78: {  	v5 =	vld [tilespmem:$0x6E40];
	_ =	sdelay $0x4  }
0x79: {  	s18 =	simm.s32 $0x1;
	v5 =	vmul.f32 v6, v5  }
0x7a: {  	s18 =	sand.u32 $0x7, s18  }
0x7b: {  	s8 =	sor.u32 s18, s8;
	[tilespmem:s9+$0xFFFFFFF0] =	vst v5  }
0x7c: {  	s2 =	sor.u32 s18, s2;
	v5 =	vld [tilespmem:s8+$0x0]  }
0x7d: {  	v6 =	vld [tilespmem:s2+$0x0];
	_ =	sdelay $0x3  }
0x7e: {  	(v2sf) =	vpush v5, $0x0  }
0x7f: {  	(v2sf) =	vpush v6, $0x0;
	_ =	sdelay $0x7  }
0x80: {  	v7 =	vld [tilespmem:s16+$0x0]  }
0x81: {  	v8 =	vld [tilespmem:s28+$0x0]  }
0x82: {  	v5 =	vld [tilespmem:$0x6E30]  }
0x83: {  	v6 =	vld [tilespmem:$0x6E20];
	_ =	sdelay $0x2  }
0x84: {  	s22 =	spop (v2sf)  }
0x85: {  	v63 =	vld [tilespmem:s22+$0x0];
	s25 =	spop (v2sf)  }
0x86: {  	v5 =	vmul.f32 v5, v8;
	v6 =	vmul.f32 v6, v7;
	v7 =	vld [tilespmem:s25+$0x0];
	_ =	sdelay $0x1  }
0x87: {  	v5 =	vadd.f32 v5, v6;
	_ =	sdelay $0x1  }
0x88: {  	v6 =	vperm.xlane v5, v1;
	(v2sf) =	vpush v63, $0x0  }
0x89: {  	(v2sf) =	vpush v7, $0x0  }
0x8a: {  	v5 =	vadd.f32 v5, v6;
	_ =	sdelay $0x1  }
0x8b: {  	v6 =	vperm.xlane v5, v2;
	_ =	sdelay $0x1  }
0x8c: {  	v5 =	vadd.f32 v5, v6;
	_ =	sdelay $0x1  }
0x8d: {  	v6 =	vperm.xlane v5, v3;
	_ =	sdelay $0x1  }
0x8e: {  	v5 =	vadd.f32 v5, v6;
	_ =	sdelay $0x1  }
0x8f: {  	v6 =	vperm.xlane v5, v4;
	_ =	sdelay $0x1  }
0x90: {  	v5 =	vadd.f32 v5, v6  }
0x91: {  	s26 =	spop (v2sf)  }
0x92: {  	v6 =	vmul.f32 $2.000000030e-01, v5;
	s28 =	spop (v2sf)  }
0x93: {  	s2 =	sadd.f32 s28, s26  }
0x94: {  	v5 =	vmax.f32 v5, v6  }
0x95: {  	v5 =	vadd.f32 s2, v5;
	_ =	sdelay $0x1  }
0x96: {  	v5 =	vmul.f32 $1.442695020e+00, v5;
	_ =	sdelay $0x1  }
0x97: {  	v5 =	vpsel !p2, $0xCDCE6112, v5  }
0x98: {  	(erf) = vpow2.f32 v5;
	_ =	sdelay $0x8  }
0x99: {  	v5 =	vpop (erf)  }
0x9a: {  	v6 =	vmul.f32 v5, v8;
	_ =	sdelay $0x1  }
0x9b: {  	[tilespmem:s9+$0x0] =	vst v6  }
0x9c: {  	v6 =	vld [tilespmem:$0x6E40];
	_ =	sdelay $0x1  }
0x9d: {  	s6 =	simm.s32 $0x2D50  }
0x9e: {  	s19 =	simm.s32 $0x4D80;
	s8 =	simm.s32 $0x2;
	s2 =	simm.s32 $0x4  }
.LBB2_5:
0x9f: {  	s25 =	sand.u32 $0x78, s8  }
0xa0: {  	v5 =	vmul.f32 v5, v6;
	s16 =	sadd.s32 $0x20, s16;
	s26 =	smov.u32 s2;
	s18 =	sadd.s32 $0x2, s2  }
0xa1: {  	s28 =	sand.u32 $0x6, s8;
	s22 =	sadd.s32 $0x28A0, s25;
	s25 =	sadd.s32 $0x2920, s25  }
0xa2: {  	p2 =	sne.s32 s2, $0x7E;
	s2 =	sor.u32 s28, s22;
	s28 =	sor.u32 s28, s25;
	[tilespmem:s9+$0x10] =	vst v5  }
0xa3: {  	s9 =	smov.u32 s19;
	v5 =	vld [tilespmem:s2+$0x0]  }
0xa4: {  	v6 =	vld [tilespmem:s28+$0x0];
	_ =	sdelay $0x3  }
0xa5: {  	(v2sf) =	vpush v5, $0x0  }
0xa6: {  	(v2sf) =	vpush v6, $0x0;
	_ =	sdelay $0x6  }
0xa7: {  	v5 =	vld [tilespmem:s6+$0xFFFFFFF0]  }
0xa8: {  	v6 =	vld [tilespmem:$0x6E30]  }
0xa9: {  	v7 =	vld [tilespmem:$0x6E20]  }
0xaa: {  	v8 =	vld [tilespmem:s16+$0xFFFFFFF0];
	_ =	sdelay $0x3  }
0xab: {  	s2 =	spop (v2sf)  }
0xac: {  	v6 =	vmul.f32 v6, v5;
	v7 =	vmul.f32 v7, v8;
	v8 =	vld [tilespmem:s2+$0x0];
	s2 =	spop (v2sf)  }
0xad: {  	v9 =	vld [tilespmem:s2+$0x0]  }
0xae: {  	v6 =	vadd.f32 v6, v7;
	_ =	sdelay $0x1  }
0xaf: {  	v7 =	vperm.xlane v6, v1  }
0xb0: {  	(v2sf) =	vpush v8, $0x0  }
0xb1: {  	v6 =	vadd.f32 v6, v7;
	(v2sf) =	vpush v9, $0x0;
	_ =	sdelay $0x1  }
0xb2: {  	v7 =	vperm.xlane v6, v2;
	_ =	sdelay $0x1  }
0xb3: {  	v6 =	vadd.f32 v6, v7;
	_ =	sdelay $0x1  }
0xb4: {  	v7 =	vperm.xlane v6, v3;
	_ =	sdelay $0x1  }
0xb5: {  	v6 =	vadd.f32 v6, v7;
	_ =	sdelay $0x1  }
0xb6: {  	v7 =	vperm.xlane v6, v4;
	_ =	sdelay $0x1  }
0xb7: {  	v6 =	vadd.f32 v6, v7;
	_ =	sdelay $0x1  }
0xb8: {  	v7 =	vmul.f32 $2.000000030e-01, v6;
	s2 =	spop (v2sf)  }
0xb9: {  	s28 =	spop (v2sf)  }
0xba: {  	v6 =	vmax.f32 v6, v7;
	s2 =	sadd.f32 s28, s2;
	_ =	sdelay $0x1  }
0xbb: {  	s28 =	sor.u32 s1, s8;
	v6 =	vadd.f32 s2, v6  }
0xbc: {  	s2 =	sadd.s32 s11, s28  }
0xbd: {  	p3 =	slt.u32 s2, $0x9C400;
	v6 =	vmul.f32 $1.442695020e+00, v6;
	_ =	sdelay $0x1  }
0xbe: {  	v6 =	vpsel !p3, $0xCDCE6112, v6  }
0xbf: {  	(erf) = vpow2.f32 v6;
	_ =	sdelay $0x8  }
0xc0: {  	v6 =	vpop (erf)  }
0xc1: {  	v5 =	vmul.f32 v6, v5;
	_ =	sdelay $0x1  }
0xc2: {  	[tilespmem:s19+$0xFFFFFFE0] =	vst v5  }
0xc3: {  	v5 =	vld [tilespmem:$0x6E40];
	_ =	sdelay $0x4  }
0xc4: {  	s2 =	sadd.s32 $0x1, s8;
	s8 =	smov.u32 s26;
	v5 =	vmul.f32 v6, v5  }
0xc5: {  	s2 =	sand.u32 $0x7, s2  }
0xc6: {  	s22 =	sor.u32 s2, s22;
	s2 =	sor.u32 s2, s25;
	[tilespmem:s19+$0xFFFFFFF0] =	vst v5  }
0xc7: {  	v5 =	vld [tilespmem:s22+$0x0]  }
0xc8: {  	v6 =	vld [tilespmem:s2+$0x0];
	_ =	sdelay $0x3  }
0xc9: {  	(v2sf) =	vpush v5, $0x0  }
0xca: {  	(v2sf) =	vpush v6, $0x0;
	_ =	sdelay $0x5  }
0xcb: {  	v5 =	vld [tilespmem:$0x6E30]  }
0xcc: {  	v6 =	vld [tilespmem:$0x6E20]  }
0xcd: {  	v7 =	vld [tilespmem:s16+$0x0]  }
0xce: {  	v8 =	vld [tilespmem:s6+$0x0];
	_ =	sdelay $0x3  }
0xcf: {  	v6 =	vmul.f32 v6, v7  }
0xd0: {  	v5 =	vmul.f32 v5, v8;
	s2 =	spop (v2sf)  }
0xd1: {  	v7 =	vld [tilespmem:s2+$0x0];
	s2 =	spop (v2sf)  }
0xd2: {  	v5 =	vadd.f32 v5, v6;
	v6 =	vld [tilespmem:s2+$0x0];
	_ =	sdelay $0x1  }
0xd3: {  	v9 =	vperm.xlane v5, v1;
	_ =	sdelay $0x1  }
0xd4: {  	v5 =	vadd.f32 v5, v9;
	(v2sf) =	vpush v7, $0x0  }
0xd5: {  	(v2sf) =	vpush v6, $0x0  }
0xd6: {  	v6 =	vperm.xlane v5, v2;
	_ =	sdelay $0x1  }
0xd7: {  	v5 =	vadd.f32 v5, v6;
	_ =	sdelay $0x1  }
0xd8: {  	v6 =	vperm.xlane v5, v3;
	_ =	sdelay $0x1  }
0xd9: {  	v5 =	vadd.f32 v5, v6;
	_ =	sdelay $0x1  }
0xda: {  	v6 =	vperm.xlane v5, v4;
	_ =	sdelay $0x1  }
0xdb: {  	v5 =	vadd.f32 v5, v6;
	_ =	sdelay $0x1  }
0xdc: {  	v6 =	vmul.f32 $2.000000030e-01, v5  }
0xdd: {  	s2 =	spop (v2sf)  }
0xde: {  	v5 =	vmax.f32 v5, v6;
	s22 =	spop (v2sf)  }
0xdf: {  	s2 =	sadd.f32 s22, s2;
	_ =	sdelay $0x1  }
0xe0: {  	v5 =	vadd.f32 s2, v5;
	_ =	sdelay $0x1  }
0xe1: {  	v5 =	vmul.f32 $1.442695020e+00, v5;
	_ =	sdelay $0x1  }
0xe2: {  	v5 =	vpsel !p3, $0xCDCE6112, v5  }
0xe3: {  	(erf) = vpow2.f32 v5;
	_ =	sdelay $0x8  }
0xe4: {  	v5 =	vpop (erf)  }
0xe5: {  	v6 =	vmul.f32 v5, v8;
	_ =	sdelay $0x1  }
0xe6: {  	[tilespmem:s19+$0x0] =	vst v6  }
.Ltmp1:
0xe7: {  	v6 =	vld [tilespmem:$0x6E40];
	(pc) =	sbr.rel @p2 .LBB2_5-.Ltmp1, $2  }
0xe8: {  	_ =	sdelay $0x2  }
0xe9: {  	s6 =	sadd.s32 $0x20, s6;
	s2 =	smov.u32 s18;
	s19 =	sadd.s32 $0x40, s19  }
0xea: {  	s2 =	sand.u32 $0x78, s8;
	v5 =	vmul.f32 v5, v6  }
0xeb: {  	s18 =	sand.u32 $0x6, s8;
	s22 =	sadd.s32 $0x28A0, s2  }
0xec: {  	s2 =	sadd.s32 $0x2920, s2;
	[tilespmem:s9+$0x10] =	vst v5;
	s3 =	sor.u32 s18, s22  }
0xed: {  	s18 =	sor.u32 s18, s2;
	v5 =	vld [tilespmem:s3+$0x0]  }
0xee: {  	v6 =	vld [tilespmem:s18+$0x0];
	_ =	sdelay $0x3  }
0xef: {  	(v2sf) =	vpush v5, $0x0  }
0xf0: {  	(v2sf) =	vpush v6, $0x0;
	_ =	sdelay $0x7  }
0xf1: {  	s9 =	sadd.s32 $0x20, s16;
	v7 =	vld [tilespmem:$0x6E20]  }
0xf2: {  	v8 =	vld [tilespmem:s9+$0xFFFFFFF0]  }
0xf3: {  	v5 =	vld [tilespmem:s6+$0xFFFFFFF0]  }
0xf4: {  	v6 =	vld [tilespmem:$0x6E30];
	_ =	sdelay $0x2  }
0xf5: {  	s25 =	spop (v2sf)  }
0xf6: {  	v9 =	vld [tilespmem:s25+$0x0];
	s26 =	spop (v2sf)  }
0xf7: {  	v7 =	vmul.f32 v7, v8;
	v6 =	vmul.f32 v6, v5;
	v8 =	vld [tilespmem:s26+$0x0];
	_ =	sdelay $0x1  }
0xf8: {  	v6 =	vadd.f32 v6, v7;
	_ =	sdelay $0x1  }
0xf9: {  	v7 =	vperm.xlane v6, v1;
	(v2sf) =	vpush v9, $0x0  }
0xfa: {  	(v2sf) =	vpush v8, $0x0  }
0xfb: {  	v6 =	vadd.f32 v6, v7;
	_ =	sdelay $0x1  }
0xfc: {  	v7 =	vperm.xlane v6, v2;
	_ =	sdelay $0x1  }
0xfd: {  	v6 =	vadd.f32 v6, v7;
	_ =	sdelay $0x1  }
0xfe: {  	v7 =	vperm.xlane v6, v3;
	_ =	sdelay $0x1  }
0xff: {  	v6 =	vadd.f32 v6, v7;
	_ =	sdelay $0x1  }
0x100: {  	v7 =	vperm.xlane v6, v4;
	_ =	sdelay $0x1  }
0x101: {  	v6 =	vadd.f32 v6, v7  }
0x102: {  	s28 =	spop (v2sf)  }
0x103: {  	v7 =	vmul.f32 $2.000000030e-01, v6;
	s3 =	spop (v2sf)  }
0x104: {  	s16 =	sadd.f32 s3, s28  }
0x105: {  	v6 =	vmax.f32 v6, v7  }
0x106: {  	v6 =	vadd.f32 s16, v6  }
0x107: {  	s1 =	sor.u32 s1, s8  }
0x108: {  	s1 =	sadd.s32 s11, s1;
	v6 =	vmul.f32 $1.442695020e+00, v6  }
0x109: {  	p2 =	slt.u32 s1, $0x9C400  }
0x10a: {  	v6 =	vpsel !p2, $0xCDCE6112, v6  }
0x10b: {  	(erf) = vpow2.f32 v6;
	_ =	sdelay $0x8  }
0x10c: {  	v6 =	vpop (erf)  }
0x10d: {  	v5 =	vmul.f32 v6, v5;
	_ =	sdelay $0x1  }
0x10e: {  	[tilespmem:s19+$0xFFFFFFE0] =	vst v5  }
0x10f: {  	v5 =	vld [tilespmem:$0x6E40];
	_ =	sdelay $0x4  }
0x110: {  	s25 =	sadd.s32 $0x1, s8;
	v5 =	vmul.f32 v6, v5  }
0x111: {  	s1 =	sand.u32 $0x7, s25  }
0x112: {  	s26 =	sor.u32 s1, s22;
	[tilespmem:s19+$0xFFFFFFF0] =	vst v5  }
0x113: {  	s1 =	sor.u32 s1, s2;
	v5 =	vld [tilespmem:s26+$0x0]  }
0x114: {  	v6 =	vld [tilespmem:s1+$0x0];
	_ =	sdelay $0x3  }
0x115: {  	(v2sf) =	vpush v5, $0x0  }
0x116: {  	(v2sf) =	vpush v6, $0x0;
	_ =	sdelay $0x7  }
0x117: {  	v7 =	vld [tilespmem:s9+$0x0]  }
0x118: {  	v8 =	vld [tilespmem:s6+$0x0]  }
0x119: {  	v5 =	vld [tilespmem:$0x6E30]  }
0x11a: {  	v6 =	vld [tilespmem:$0x6E20];
	_ =	sdelay $0x2  }
0x11b: {  	s28 =	spop (v2sf)  }
0x11c: {  	v60 =	vld [tilespmem:s28+$0x0];
	s2 =	spop (v2sf)  }
0x11d: {  	v5 =	vmul.f32 v5, v8;
	v6 =	vmul.f32 v6, v7;
	v7 =	vld [tilespmem:s2+$0x0];
	_ =	sdelay $0x1  }
0x11e: {  	v5 =	vadd.f32 v5, v6;
	_ =	sdelay $0x1  }
0x11f: {  	v6 =	vperm.xlane v5, v1;
	(v2sf) =	vpush v60, $0x0  }
0x120: {  	(v2sf) =	vpush v7, $0x0  }
0x121: {  	v5 =	vadd.f32 v5, v6;
	_ =	sdelay $0x1  }
0x122: {  	v6 =	vperm.xlane v5, v2;
	_ =	sdelay $0x1  }
0x123: {  	v5 =	vadd.f32 v5, v6;
	_ =	sdelay $0x1  }
0x124: {  	v6 =	vperm.xlane v5, v3;
	_ =	sdelay $0x1  }
0x125: {  	v5 =	vadd.f32 v5, v6;
	_ =	sdelay $0x1  }
0x126: {  	v6 =	vperm.xlane v5, v4;
	_ =	sdelay $0x1  }
0x127: {  	v5 =	vadd.f32 v5, v6  }
0x128: {  	s3 =	spop (v2sf)  }
0x129: {  	v6 =	vmul.f32 $2.000000030e-01, v5;
	s6 =	spop (v2sf)  }
0x12a: {  	s1 =	sadd.f32 s6, s3  }
0x12b: {  	v5 =	vmax.f32 v5, v6  }
0x12c: {  	v5 =	vadd.f32 s1, v5;
	_ =	sdelay $0x1  }
0x12d: {  	v5 =	vmul.f32 $1.442695020e+00, v5;
	_ =	sdelay $0x1  }
0x12e: {  	v5 =	vpsel !p2, $0xCDCE6112, v5  }
0x12f: {  	(erf) = vpow2.f32 v5;
	_ =	sdelay $0x8  }
0x130: {  	v5 =	vpop (erf)  }
0x131: {  	v6 =	vmul.f32 v5, v8;
	_ =	sdelay $0x1  }
0x132: {  	[tilespmem:s19+$0x0] =	vst v6  }
0x133: {  	v6 =	vld [tilespmem:$0x6E40];
	_ =	sdelay $0x4  }
0x134: {  	v5 =	vmul.f32 v5, v6;
	_ =	sdelay $0x1  }
0x135: {  	[tilespmem:s19+$0x10] =	vst v5  }
0x136: {  	v5 =	vld [tilespmem:$0x2820]  }
0x137: {  	v6 =	vld [tilespmem:$0x2830]  }
0x138: {  	v7 =	vld [tilespmem:$0x2840]  }
0x139: {  	v8 =	vld [tilespmem:$0x2850]  }
0x13a: {  	v61 =	vld [tilespmem:$0x2860]  }
0x13b: {  	[tilespmem:$0x6D20] =	vst v5;
	v5 =	vld [tilespmem:$0x2870]  }
0x13c: {  	[tilespmem:$0x6D30] =	vst v6;
	v6 =	vld [tilespmem:$0x2880]  }
0x13d: {  	[tilespmem:$0x6D40] =	vst v7;
	v7 =	vld [tilespmem:$0x2890]  }
0x13e: {  	[tilespmem:$0x6D50] =	vst v8  }
0x13f: {  	s16 =	smul.u32 $0x600, s7;
	[tilespmem:$0x6D60] =	vst v61  }
0x140: {  	s18 =	rddreg [dreg:$0xc];
	[tilespmem:$0x6D70] =	vst v5  }
0x141: {  	s1 =	sadd.s32 s16, s18;
	[tilespmem:$0x6D80] =	vst v6  }
0x142: {  	s8 =	simm.s32 $0x6D20;
	s9 =	simm.s32 $0x4D20;
	s1 =	sshrl.u32 s1, $0x3;
	[tilespmem:$0x6D90] =	vst v7  }
0x143: {  	[spmem:s14] =	stream.indirect.scatter.add.f32 [tilespmem:s9], [sflag:$0x7], $0x20, s8, s24, $0xb8;
	[tilespmem:$0xCC20] =	vst v63  }
0x144: {  	s1 =	sadd.s32 s5, s1  }
0x145: {  	[tilespmem:s21], [sflag:$0x5] =	stream.linear.gather [hbm4b:s1+s15], $0x300, $0x38;
	[tilespmem:$0xCC20] =	vst v63  }
0x146: {  	_ =	swait.ge [sflag:s10], $0x800  }
0x147: {  	[sflag:s10] =	ssyncset.done $0x0  }
0x148: {  	[sflag:s10] =	ssyncadd.s32 $0xFFFFF800  }
0x149: {  	_ =	swait.ge [sflag:s12], $0x800  }
0x14a: {  	[sflag:s12] =	ssyncset.done $0x0  }
0x14b: {  	[sflag:s12] =	ssyncadd.s32 $0xFFFFF800  }
0x14c: {  	_ =	swait.ge [sflag:s17], $0x300  }
0x14d: {  	[sflag:s17] =	ssyncset.done $0x0  }
0x14e: {  	s25 =	simm.s32 $0x3D20;
	s19 =	simm.s32 $0x2D20;
	[sflag:s17] =	ssyncadd.s32 $0xFFFFFD00  }
0x14f: {  	[tilespmem:s19], [sflag:$0x1] =	stream.indirect.gather [hbm4b:s4+s24], $0x10, s21, s24, $0xb8;
	[tilespmem:$0xCC20] =	vst v63  }
0x150: {  	s22 =	simm.s32 $0x27A0;
	s26 =	simm.s32 $0x0;
	s1 =	simm.s32 @!p1 $0x8  }
0x151: {  	[tilespmem:s25], [sflag:$0x2] =	stream.indirect.gather [hbm4b:s4+s24], $0x10, s22, s24, $0xb8;
	[tilespmem:$0xCC20] =	vst v63  }
0x152: {  	s28 =	sand.u32 $0x78, s26;
	_ =	swait.ge @!p1 [sflag:s1], $0x1000  }
0x153: {  	s2 =	sand.u32 $0x6, s26;
	s8 =	sadd.s32 $0x2BA0, s28;
	[sflag:s1] =	ssyncset.done @!p1 $0x0  }
0x154: {  	s6 =	sadd.s32 $0x2C20, s28;
	s9 =	sor.u32 s2, s8;
	[sflag:s1] =	ssyncadd.s32 @!p1 $0xFFFFF000  }
0x155: {  	s2 =	sor.u32 s2, s6;
	v5 =	vld [tilespmem:s9+$0x0]  }
0x156: {  	v6 =	vld [tilespmem:s2+$0x0];
	_ =	sdelay $0x3  }
0x157: {  	(v2sf) =	vpush v5, $0x0  }
0x158: {  	(v2sf) =	vpush v6, $0x0;
	_ =	sdelay $0x7  }
0x159: {  	s1 =	simm.s32 $0x4530;
	v7 =	vld [tilespmem:$0x6E20]  }
0x15a: {  	s3 =	smov.u32 s14;
	s14 =	simm.s32 $0x3530;
	v8 =	vld [tilespmem:s1+$0xFFFFFFF0]  }
0x15b: {  	v5 =	vld [tilespmem:s14+$0xFFFFFFF0]  }
0x15c: {  	v6 =	vld [tilespmem:$0x6E30];
	_ =	sdelay $0x2  }
0x15d: {  	s15 =	spop (v2sf)  }
0x15e: {  	v62 =	vld [tilespmem:s15+$0x0];
	s18 =	spop (v2sf)  }
0x15f: {  	v7 =	vmul.f32 v7, v8;
	v6 =	vmul.f32 v6, v5;
	v8 =	vld [tilespmem:s18+$0x0];
	_ =	sdelay $0x1  }
0x160: {  	v6 =	vadd.f32 v6, v7;
	_ =	sdelay $0x1  }
0x161: {  	v7 =	vperm.xlane v6, v1;
	(v2sf) =	vpush v62, $0x0  }
0x162: {  	(v2sf) =	vpush v8, $0x0  }
0x163: {  	v6 =	vadd.f32 v6, v7;
	_ =	sdelay $0x1  }
0x164: {  	v7 =	vperm.xlane v6, v2;
	_ =	sdelay $0x1  }
0x165: {  	v6 =	vadd.f32 v6, v7;
	_ =	sdelay $0x1  }
0x166: {  	v7 =	vperm.xlane v6, v3;
	_ =	sdelay $0x1  }
0x167: {  	v6 =	vadd.f32 v6, v7;
	_ =	sdelay $0x1  }
0x168: {  	v7 =	vperm.xlane v6, v4;
	_ =	sdelay $0x1  }
0x169: {  	v6 =	vadd.f32 v6, v7  }
0x16a: {  	s19 =	spop (v2sf)  }
0x16b: {  	v7 =	vmul.f32 $2.000000030e-01, v6;
	s22 =	spop (v2sf)  }
0x16c: {  	s9 =	sadd.f32 s22, s19  }
0x16d: {  	v6 =	vmax.f32 v6, v7  }
0x16e: {  	v6 =	vadd.f32 s9, v6  }
0x16f: {  	s18 =	sadd.s32 $0x0, s13  }
0x170: {  	s25 =	sadd.s32 $0x80, s18;
	s19 =	sadd.s32 $0x0, s20;
	v6 =	vmul.f32 $1.442695020e+00, v6  }
0x171: {  	p3 =	slt.u32 s25, $0x9C400;
	s26 =	sadd.s32 $0x80, s19  }
0x172: {  	p4 =	slt.u32 s26, $0x4E80;
	v6 =	vpsel !p3, $0xCDCE6112, v6  }
0x173: {  	v6 =	vpsel !p4, $0xCDCE6112, v6  }
0x174: {  	(erf) = vpow2.f32 v6;
	_ =	sdelay $0x8  }
0x175: {  	v6 =	vpop (erf)  }
0x176: {  	v5 =	vmul.f32 v6, v5  }
0x177: {  	s9 =	simm.s32 $0x5D40  }
0x178: {  	[tilespmem:s9+$0xFFFFFFE0] =	vst v5  }
0x179: {  	v5 =	vld [tilespmem:$0x6E40];
	_ =	sdelay $0x4  }
0x17a: {  	s28 =	simm.s32 $0x1;
	v5 =	vmul.f32 v6, v5  }
0x17b: {  	s22 =	sand.u32 $0x7, s28  }
0x17c: {  	s8 =	sor.u32 s22, s8;
	[tilespmem:s9+$0xFFFFFFF0] =	vst v5  }
0x17d: {  	s6 =	sor.u32 s22, s6;
	v5 =	vld [tilespmem:s8+$0x0]  }
0x17e: {  	v6 =	vld [tilespmem:s6+$0x0];
	_ =	sdelay $0x3  }
0x17f: {  	(v2sf) =	vpush v5, $0x0  }
0x180: {  	(v2sf) =	vpush v6, $0x0;
	_ =	sdelay $0x7  }
0x181: {  	v7 =	vld [tilespmem:s1+$0x0]  }
0x182: {  	v8 =	vld [tilespmem:s14+$0x0]  }
0x183: {  	v5 =	vld [tilespmem:$0x6E30]  }
0x184: {  	v6 =	vld [tilespmem:$0x6E20];
	_ =	sdelay $0x2  }
0x185: {  	s14 =	spop (v2sf)  }
0x186: {  	v63 =	vld [tilespmem:s14+$0x0];
	s15 =	spop (v2sf)  }
0x187: {  	v5 =	vmul.f32 v5, v8;
	v6 =	vmul.f32 v6, v7;
	v7 =	vld [tilespmem:s15+$0x0];
	_ =	sdelay $0x1  }
0x188: {  	v5 =	vadd.f32 v5, v6;
	_ =	sdelay $0x1  }
0x189: {  	v6 =	vperm.xlane v5, v1;
	(v2sf) =	vpush v63, $0x0  }
0x18a: {  	(v2sf) =	vpush v7, $0x0  }
0x18b: {  	v5 =	vadd.f32 v5, v6;
	_ =	sdelay $0x1  }
0x18c: {  	v6 =	vperm.xlane v5, v2;
	_ =	sdelay $0x1  }
0x18d: {  	v5 =	vadd.f32 v5, v6;
	_ =	sdelay $0x1  }
0x18e: {  	v6 =	vperm.xlane v5, v3;
	_ =	sdelay $0x1  }
0x18f: {  	v5 =	vadd.f32 v5, v6;
	_ =	sdelay $0x1  }
0x190: {  	v6 =	vperm.xlane v5, v4;
	_ =	sdelay $0x1  }
0x191: {  	v5 =	vadd.f32 v5, v6  }
0x192: {  	s22 =	spop (v2sf)  }
0x193: {  	v6 =	vmul.f32 $2.000000030e-01, v5;
	s25 =	spop (v2sf)  }
0x194: {  	s2 =	sadd.f32 s25, s22  }
0x195: {  	v5 =	vmax.f32 v5, v6  }
0x196: {  	v5 =	vadd.f32 s2, v5;
	_ =	sdelay $0x1  }
0x197: {  	s26 =	sadd.s32 $0x81, s18;
	v5 =	vmul.f32 $1.442695020e+00, v5  }
0x198: {  	s28 =	sadd.s32 $0x81, s19;
	p5 =	slt.u32 s26, $0x9C400  }
0x199: {  	p6 =	slt.u32 s28, $0x4E80;
	v5 =	vpsel !p5, $0xCDCE6112, v5  }
0x19a: {  	v5 =	vpsel !p6, $0xCDCE6112, v5  }
0x19b: {  	(erf) = vpow2.f32 v5;
	_ =	sdelay $0x8  }
0x19c: {  	v5 =	vpop (erf)  }
0x19d: {  	v6 =	vmul.f32 v5, v8;
	_ =	sdelay $0x1  }
0x19e: {  	[tilespmem:s9+$0x0] =	vst v6  }
0x19f: {  	v6 =	vld [tilespmem:$0x6E40];
	_ =	sdelay $0x1  }
0x1a0: {  	s19 =	simm.s32 $0x5D80  }
0x1a1: {  	s8 =	simm.s32 $0x2;
	s6 =	simm.s32 $0x3550;
	s2 =	simm.s32 $0x4  }
.LBB2_7:
0x1a2: {  	s25 =	sand.u32 $0x78, s8  }
0x1a3: {  	v5 =	vmul.f32 v5, v6;
	s1 =	sadd.s32 $0x20, s1;
	s26 =	smov.u32 s2;
	s18 =	sadd.s32 $0x2, s2  }
0x1a4: {  	s28 =	sand.u32 $0x6, s8;
	s22 =	sadd.s32 $0x2BA0, s25;
	s25 =	sadd.s32 $0x2C20, s25  }
0x1a5: {  	p1 =	sne.s32 s2, $0x7E;
	s2 =	sor.u32 s28, s22;
	s28 =	sor.u32 s28, s25;
	[tilespmem:s9+$0x10] =	vst v5  }
0x1a6: {  	s9 =	smov.u32 s19;
	v5 =	vld [tilespmem:s2+$0x0]  }
0x1a7: {  	v6 =	vld [tilespmem:s28+$0x0];
	_ =	sdelay $0x3  }
0x1a8: {  	(v2sf) =	vpush v5, $0x0  }
0x1a9: {  	(v2sf) =	vpush v6, $0x0;
	_ =	sdelay $0x6  }
0x1aa: {  	v5 =	vld [tilespmem:s6+$0xFFFFFFF0]  }
0x1ab: {  	v6 =	vld [tilespmem:$0x6E30]  }
0x1ac: {  	v7 =	vld [tilespmem:$0x6E20]  }
0x1ad: {  	v8 =	vld [tilespmem:s1+$0xFFFFFFF0];
	_ =	sdelay $0x3  }
0x1ae: {  	s2 =	spop (v2sf)  }
0x1af: {  	v6 =	vmul.f32 v6, v5;
	v7 =	vmul.f32 v7, v8;
	v8 =	vld [tilespmem:s2+$0x0];
	s2 =	spop (v2sf)  }
0x1b0: {  	v9 =	vld [tilespmem:s2+$0x0]  }
0x1b1: {  	v6 =	vadd.f32 v6, v7;
	_ =	sdelay $0x1  }
0x1b2: {  	v7 =	vperm.xlane v6, v1  }
0x1b3: {  	(v2sf) =	vpush v8, $0x0  }
0x1b4: {  	v6 =	vadd.f32 v6, v7;
	(v2sf) =	vpush v9, $0x0;
	_ =	sdelay $0x1  }
0x1b5: {  	v7 =	vperm.xlane v6, v2;
	_ =	sdelay $0x1  }
0x1b6: {  	v6 =	vadd.f32 v6, v7;
	_ =	sdelay $0x1  }
0x1b7: {  	v7 =	vperm.xlane v6, v3;
	_ =	sdelay $0x1  }
0x1b8: {  	v6 =	vadd.f32 v6, v7;
	_ =	sdelay $0x1  }
0x1b9: {  	v7 =	vperm.xlane v6, v4;
	_ =	sdelay $0x1  }
0x1ba: {  	v6 =	vadd.f32 v6, v7;
	_ =	sdelay $0x1  }
0x1bb: {  	v7 =	vmul.f32 $2.000000030e-01, v6;
	s2 =	spop (v2sf)  }
0x1bc: {  	s28 =	spop (v2sf)  }
0x1bd: {  	v6 =	vmax.f32 v6, v7;
	s2 =	sadd.f32 s28, s2;
	_ =	sdelay $0x1  }
0x1be: {  	s28 =	sadd.s32 s8, s13;
	v6 =	vadd.f32 s2, v6  }
0x1bf: {  	s14 =	sadd.s32 $0x80, s28;
	s28 =	sadd.s32 $0x81, s28;
	s2 =	sadd.s32 s8, s20  }
0x1c0: {  	p2 =	slt.u32 s14, $0x9C400;
	s15 =	sadd.s32 $0x80, s2;
	s2 =	sadd.s32 $0x81, s2;
	v6 =	vmul.f32 $1.442695020e+00, v6  }
0x1c1: {  	p3 =	slt.u32 s15, $0x4E80  }
0x1c2: {  	v6 =	vpsel !p2, $0xCDCE6112, v6  }
0x1c3: {  	v6 =	vpsel !p3, $0xCDCE6112, v6  }
0x1c4: {  	(erf) = vpow2.f32 v6;
	_ =	sdelay $0x8  }
0x1c5: {  	v6 =	vpop (erf)  }
0x1c6: {  	v5 =	vmul.f32 v6, v5;
	_ =	sdelay $0x1  }
0x1c7: {  	[tilespmem:s19+$0xFFFFFFE0] =	vst v5  }
0x1c8: {  	v5 =	vld [tilespmem:$0x6E40];
	_ =	sdelay $0x4  }
0x1c9: {  	s14 =	sadd.s32 $0x1, s8;
	s8 =	smov.u32 s26;
	v5 =	vmul.f32 v6, v5  }
0x1ca: {  	s14 =	sand.u32 $0x7, s14  }
0x1cb: {  	s15 =	sor.u32 s14, s22;
	s14 =	sor.u32 s14, s25;
	[tilespmem:s19+$0xFFFFFFF0] =	vst v5  }
0x1cc: {  	v5 =	vld [tilespmem:s15+$0x0]  }
0x1cd: {  	v6 =	vld [tilespmem:s14+$0x0];
	_ =	sdelay $0x3  }
0x1ce: {  	(v2sf) =	vpush v5, $0x0  }
0x1cf: {  	(v2sf) =	vpush v6, $0x0;
	_ =	sdelay $0x5  }
0x1d0: {  	v5 =	vld [tilespmem:$0x6E30]  }
0x1d1: {  	v6 =	vld [tilespmem:$0x6E20]  }
0x1d2: {  	v7 =	vld [tilespmem:s1+$0x0]  }
0x1d3: {  	v8 =	vld [tilespmem:s6+$0x0];
	_ =	sdelay $0x3  }
0x1d4: {  	v6 =	vmul.f32 v6, v7  }
0x1d5: {  	v5 =	vmul.f32 v5, v8;
	s14 =	spop (v2sf)  }
0x1d6: {  	v7 =	vld [tilespmem:s14+$0x0];
	s14 =	spop (v2sf)  }
0x1d7: {  	v5 =	vadd.f32 v5, v6;
	v6 =	vld [tilespmem:s14+$0x0];
	_ =	sdelay $0x1  }
0x1d8: {  	v9 =	vperm.xlane v5, v1;
	_ =	sdelay $0x1  }
0x1d9: {  	v5 =	vadd.f32 v5, v9;
	(v2sf) =	vpush v7, $0x0  }
0x1da: {  	(v2sf) =	vpush v6, $0x0  }
0x1db: {  	v6 =	vperm.xlane v5, v2;
	_ =	sdelay $0x1  }
0x1dc: {  	v5 =	vadd.f32 v5, v6;
	_ =	sdelay $0x1  }
0x1dd: {  	v6 =	vperm.xlane v5, v3;
	_ =	sdelay $0x1  }
0x1de: {  	v5 =	vadd.f32 v5, v6;
	_ =	sdelay $0x1  }
0x1df: {  	v6 =	vperm.xlane v5, v4;
	_ =	sdelay $0x1  }
0x1e0: {  	v5 =	vadd.f32 v5, v6;
	_ =	sdelay $0x1  }
0x1e1: {  	v6 =	vmul.f32 $2.000000030e-01, v5  }
0x1e2: {  	s14 =	spop (v2sf)  }
0x1e3: {  	v5 =	vmax.f32 v5, v6;
	s15 =	spop (v2sf)  }
0x1e4: {  	s14 =	sadd.f32 s15, s14;
	_ =	sdelay $0x1  }
0x1e5: {  	v5 =	vadd.f32 s14, v5  }
0x1e6: {  	p2 =	slt.u32 s28, $0x9C400  }
0x1e7: {  	p3 =	slt.u32 s2, $0x4E80;
	v5 =	vmul.f32 $1.442695020e+00, v5;
	_ =	sdelay $0x1  }
0x1e8: {  	v5 =	vpsel !p2, $0xCDCE6112, v5  }
0x1e9: {  	v5 =	vpsel !p3, $0xCDCE6112, v5  }
0x1ea: {  	(erf) = vpow2.f32 v5;
	_ =	sdelay $0x8  }
0x1eb: {  	v5 =	vpop (erf)  }
0x1ec: {  	v6 =	vmul.f32 v5, v8;
	_ =	sdelay $0x1  }
0x1ed: {  	[tilespmem:s19+$0x0] =	vst v6  }
.Ltmp2:
0x1ee: {  	v6 =	vld [tilespmem:$0x6E40];
	(pc) =	sbr.rel @p1 .LBB2_7-.Ltmp2, $2  }
0x1ef: {  	_ =	sdelay $0x2  }
0x1f0: {  	s2 =	smov.u32 s18;
	s6 =	sadd.s32 $0x20, s6;
	s19 =	sadd.s32 $0x40, s19  }
0x1f1: {  	s2 =	sand.u32 $0x78, s8;
	v5 =	vmul.f32 v5, v6  }
0x1f2: {  	s14 =	sand.u32 $0x6, s8;
	s15 =	sadd.s32 $0x2BA0, s2  }
0x1f3: {  	s2 =	sadd.s32 $0x2C20, s2;
	s18 =	sor.u32 s14, s15;
	[tilespmem:s9+$0x10] =	vst v5  }
0x1f4: {  	s14 =	sor.u32 s14, s2;
	v5 =	vld [tilespmem:s18+$0x0]  }
0x1f5: {  	v6 =	vld [tilespmem:s14+$0x0];
	_ =	sdelay $0x3  }
0x1f6: {  	(v2sf) =	vpush v5, $0x0  }
0x1f7: {  	(v2sf) =	vpush v6, $0x0;
	_ =	sdelay $0x7  }
0x1f8: {  	s1 =	sadd.s32 $0x20, s1;
	v7 =	vld [tilespmem:$0x6E20]  }
0x1f9: {  	v8 =	vld [tilespmem:s1+$0xFFFFFFF0]  }
0x1fa: {  	v5 =	vld [tilespmem:s6+$0xFFFFFFF0]  }
0x1fb: {  	v6 =	vld [tilespmem:$0x6E30];
	_ =	sdelay $0x2  }
0x1fc: {  	s22 =	spop (v2sf)  }
0x1fd: {  	v9 =	vld [tilespmem:s22+$0x0];
	s25 =	spop (v2sf)  }
0x1fe: {  	v7 =	vmul.f32 v7, v8;
	v6 =	vmul.f32 v6, v5;
	v59 =	vld [tilespmem:s25+$0x0];
	_ =	sdelay $0x1  }
0x1ff: {  	v6 =	vadd.f32 v6, v7;
	_ =	sdelay $0x1  }
0x200: {  	v7 =	vperm.xlane v6, v1;
	(v2sf) =	vpush v9, $0x0  }
0x201: {  	(v2sf) =	vpush v59, $0x0  }
0x202: {  	v6 =	vadd.f32 v6, v7;
	_ =	sdelay $0x1  }
0x203: {  	v7 =	vperm.xlane v6, v2;
	_ =	sdelay $0x1  }
0x204: {  	v6 =	vadd.f32 v6, v7;
	_ =	sdelay $0x1  }
0x205: {  	v7 =	vperm.xlane v6, v3;
	_ =	sdelay $0x1  }
0x206: {  	v6 =	vadd.f32 v6, v7;
	_ =	sdelay $0x1  }
0x207: {  	v7 =	vperm.xlane v6, v4;
	_ =	sdelay $0x1  }
0x208: {  	v6 =	vadd.f32 v6, v7  }
0x209: {  	s26 =	spop (v2sf)  }
0x20a: {  	v7 =	vmul.f32 $2.000000030e-01, v6;
	s28 =	spop (v2sf)  }
0x20b: {  	s9 =	sadd.f32 s28, s26  }
0x20c: {  	v6 =	vmax.f32 v6, v7  }
0x20d: {  	v6 =	vadd.f32 s9, v6  }
0x20e: {  	s14 =	sadd.s32 s8, s13  }
0x20f: {  	s25 =	sadd.s32 s8, s20;
	s26 =	sadd.s32 $0x80, s14;
	v6 =	vmul.f32 $1.442695020e+00, v6  }
0x210: {  	s22 =	sadd.s32 $0x80, s25;
	p1 =	slt.u32 s26, $0x9C400  }
0x211: {  	p2 =	slt.u32 s22, $0x4E80;
	v6 =	vpsel !p1, $0xCDCE6112, v6  }
0x212: {  	v6 =	vpsel !p2, $0xCDCE6112, v6  }
0x213: {  	(erf) = vpow2.f32 v6;
	_ =	sdelay $0x8  }
0x214: {  	v6 =	vpop (erf)  }
0x215: {  	v5 =	vmul.f32 v6, v5;
	_ =	sdelay $0x1  }
0x216: {  	[tilespmem:s19+$0xFFFFFFE0] =	vst v5  }
0x217: {  	v5 =	vld [tilespmem:$0x6E40];
	_ =	sdelay $0x4  }
0x218: {  	s28 =	sadd.s32 $0x1, s8;
	v5 =	vmul.f32 v6, v5  }
0x219: {  	s8 =	sand.u32 $0x7, s28  }
0x21a: {  	s15 =	sor.u32 s8, s15;
	[tilespmem:s19+$0xFFFFFFF0] =	vst v5  }
0x21b: {  	s2 =	sor.u32 s8, s2;
	v5 =	vld [tilespmem:s15+$0x0]  }
0x21c: {  	v6 =	vld [tilespmem:s2+$0x0];
	_ =	sdelay $0x3  }
0x21d: {  	(v2sf) =	vpush v5, $0x0  }
0x21e: {  	(v2sf) =	vpush v6, $0x0;
	_ =	sdelay $0x7  }
0x21f: {  	v7 =	vld [tilespmem:s1+$0x0]  }
0x220: {  	v60 =	vld [tilespmem:s6+$0x0]  }
0x221: {  	v5 =	vld [tilespmem:$0x6E30]  }
0x222: {  	v6 =	vld [tilespmem:$0x6E20];
	_ =	sdelay $0x2  }
0x223: {  	s2 =	spop (v2sf)  }
0x224: {  	v61 =	vld [tilespmem:s2+$0x0];
	s6 =	spop (v2sf)  }
0x225: {  	v5 =	vmul.f32 v5, v60;
	v6 =	vmul.f32 v6, v7;
	v7 =	vld [tilespmem:s6+$0x0];
	_ =	sdelay $0x1  }
0x226: {  	v5 =	vadd.f32 v5, v6;
	_ =	sdelay $0x1  }
0x227: {  	v6 =	vperm.xlane v5, v1;
	(v2sf) =	vpush v61, $0x0  }
0x228: {  	(v2sf) =	vpush v7, $0x0  }
0x229: {  	v5 =	vadd.f32 v5, v6;
	_ =	sdelay $0x1  }
0x22a: {  	v6 =	vperm.xlane v5, v2;
	_ =	sdelay $0x1  }
0x22b: {  	v5 =	vadd.f32 v5, v6;
	_ =	sdelay $0x1  }
0x22c: {  	v6 =	vperm.xlane v5, v3;
	_ =	sdelay $0x1  }
0x22d: {  	v5 =	vadd.f32 v5, v6;
	_ =	sdelay $0x1  }
0x22e: {  	v6 =	vperm.xlane v5, v4;
	_ =	sdelay $0x1  }
0x22f: {  	v5 =	vadd.f32 v5, v6  }
0x230: {  	s8 =	spop (v2sf)  }
0x231: {  	v6 =	vmul.f32 $2.000000030e-01, v5;
	s15 =	spop (v2sf)  }
0x232: {  	s1 =	sadd.f32 s15, s8  }
0x233: {  	v5 =	vmax.f32 v5, v6  }
0x234: {  	v5 =	vadd.f32 s1, v5;
	_ =	sdelay $0x1  }
0x235: {  	s18 =	sadd.s32 $0x81, s14;
	v5 =	vmul.f32 $1.442695020e+00, v5  }
0x236: {  	p5 =	slt.u32 s18, $0x9C400;
	s22 =	sadd.s32 $0x81, s25  }
0x237: {  	p6 =	slt.u32 s22, $0x4E80;
	v5 =	vpsel !p5, $0xCDCE6112, v5  }
0x238: {  	v5 =	vpsel !p6, $0xCDCE6112, v5  }
0x239: {  	(erf) = vpow2.f32 v5;
	_ =	sdelay $0x8  }
0x23a: {  	v5 =	vpop (erf)  }
0x23b: {  	v6 =	vmul.f32 v5, v60;
	_ =	sdelay $0x1  }
0x23c: {  	[tilespmem:s19+$0x0] =	vst v6  }
0x23d: {  	v6 =	vld [tilespmem:$0x6E40];
	_ =	sdelay $0x4  }
0x23e: {  	v5 =	vmul.f32 v5, v6;
	_ =	sdelay $0x1  }
0x23f: {  	[tilespmem:s19+$0x10] =	vst v5  }
0x240: {  	v5 =	vld [tilespmem:$0x2B20]  }
0x241: {  	v6 =	vld [tilespmem:$0x2B30]  }
0x242: {  	v7 =	vld [tilespmem:$0x2B40]  }
0x243: {  	v62 =	vld [tilespmem:$0x2B50]  }
0x244: {  	v63 =	vld [tilespmem:$0x2B60]  }
0x245: {  	[tilespmem:$0x6DA0] =	vst v5;
	v5 =	vld [tilespmem:$0x2B70]  }
0x246: {  	[tilespmem:$0x6DB0] =	vst v6;
	v6 =	vld [tilespmem:$0x2B80]  }
0x247: {  	[tilespmem:$0x6DC0] =	vst v7;
	v7 =	vld [tilespmem:$0x2B90]  }
0x248: {  	[tilespmem:$0x6DD0] =	vst v62  }
0x249: {  	s7 =	sadd.s32 $0x1, s7;
	[tilespmem:$0x6DE0] =	vst v63  }
0x24a: {  	s13 =	sadd.s32 $0x100, s13;
	s28 =	rddreg [dreg:$0xd];
	p1 =	sne.s32 s7, $0x4F;
	[tilespmem:$0x6DF0] =	vst v5  }
.Ltmp3:
0x24b: {  	s20 =	sadd.s32 $0x100, s20;
	s1 =	sadd.s32 s16, s28;
	[tilespmem:$0x6E00] =	vst v6;
	(pc) =	sbr.rel @p1 .LBB2_4-.Ltmp3, $4  }
0x24c: {  	s25 =	simm.s32 $0x6DA0;
	s26 =	simm.s32 $0x5D20;
	s1 =	sshrl.u32 s1, $0x3;
	[tilespmem:$0x6E10] =	vst v7  }
0x24d: {  	[spmem:s3] =	stream.indirect.scatter.add.f32 [tilespmem:s26], [sflag:$0x8], $0x20, s25, s24, $0xb8;
	[tilespmem:$0xCC20] =	vst v63  }
0x24e: {  	s14 =	smov.u32 s3;
	s15 =	simm.s32 $0x0;
	s1 =	sadd.s32 s5, s1  }
0x24f: {  	[tilespmem:s29], [sflag:$0x6] =	stream.linear.gather [hbm4b:s1+s15], $0x300, $0x38;
	[tilespmem:$0xCC20] =	vst v63  }
0x250: {  	s1 =	simm.s32 $0x7  }
0x251: {  	_ =	swait.ge [sflag:s1], $0x1000  }
0x252: {  	[sflag:s1] =	ssyncset.done $0x0  }
0x253: {  	s25 =	simm.s32 $0x8;
	[sflag:s1] =	ssyncadd.s32 $0xFFFFF000  }
0x254: {  	_ =	swait.ge [sflag:s25], $0x1000  }
0x255: {  	[sflag:s25] =	ssyncset.done $0x0  }
0x256: {  	[sflag:s25] =	ssyncadd.s32 $0xFFFFF000  }
0x257: {  	_ =	swait.ge [sflag:s0], $0x300  }
0x258: {  	[sflag:s0] =	ssyncset.done $0x0  }
0x259: {  	[sflag:s0] =	ssyncadd.s32 $0xFFFFFD00  }
0x25a: {  	_ =	swait.ge [sflag:s30], $0x800  }
0x25b: {  	[sflag:s30] =	ssyncset.done $0x0  }
0x25c: {  	[sflag:s30] =	ssyncadd.s32 $0xFFFFF800  }
0x25d: {  	_ =	swait.ge [sflag:s31], $0x800  }
0x25e: {  	[sflag:s31] =	ssyncset.done $0x0  }
0x25f: {  	[sflag:s31] =	ssyncadd.s32 $0xFFFFF800  }
0x260: {  	[bflag:$0x0] =	sbarrier.arrive $0xFFFF  }
0x261: {  	s2 =	simm.s32 @!p0 $0x1C09;
	s1 =	sshrl.u32 @!p0 s14, $0x3;
	s3 =	rddreg [dreg:$0xf]  }
0x262: {  	[hbm:s3], [sflag:s2] =	dma.local @!p0 [spmem:s1], $0x9C40  }
0x263: {  	s1 =	simm.s32 @!p0 $0x9  }
0x264: {  	_ =	swait.ge @!p0 [sflag:s1], $0x9C40  }
0x265: {  	s26 =	rddreg [dreg:$0x12]  }
0x266: {  	s28 =	rddreg [dreg:$0x10];
	s3 =	sadd.s32 $0x1, s26  }
0x267: {  	p1 =	sne.s32 s3, s28  }
.Ltmp4:
0x268: {  	_ = 	snop;
	(pc) =	sbr.rel @p1 .LBB2_1-.Ltmp4, $3  }
0x269: {  	_ =	sdelay $0x1  }
0x26a: {  	[sflag:s1] =	ssyncset.done @!p0 $0x0  }
0x26b: {  	s9 =	simm.s32 $0x9;
	[sflag:s1] =	ssyncadd.s32 @!p0 $0xFFFF63C0  }
0x26c: {  	_ =	sfence.sel $0x180000  }
0x26d: {  	[bflag:$0x0] =	sbarrier.arrive $0xFFFF  }
0x26e: {  	_ =	strace $0x90000047  }
0x26f: {  	[bflag:$0x2] =	sbarrier.arrive $0xFFFF  }
0x270: {  	s0 =	rddreg [dreg:$0x4]  }
0x271: {  	s0 =	sadd.s32 @!p0 $0x100000, s0  }
0x272: {  	[sflag:s0] =	ssyncadd.tile.s32 @!p0 $0x1;
	_ =	shalt  }
.Lfunc_end2:
_tile_overlayer_lowered:
.L_overlay_start_2:
0x273: {  	(tag) =	ssettag $0x2  }
0x274: {  	s0 =	rddreg [dreg:$0x0];
	s2 =	stileid.u32  }
0x275: {  	s1 =	rddreg [dreg:$0x1];
	p0 =	sne.s32 s2, $0x0  }
0x276: {  	s3 =	rddreg [dreg:$0x2];
	[bflag:$0x3] =	sbarrier.arrive $0xFFFF;
	s2 =	simm.s32 @!p0 $0x1C09  }
0x277: {  	[timem:s3], [sflag:s2] =	dma.local @!p0 [hbm:s0], s1  }
0x278: {  	s0 =	simm.s32 @!p0 $0x9  }
0x279: {  	_ =	swait.ge @!p0 [sflag:s0], s1  }
0x27a: {  	s1 =	ssub.s32 @!p0 $0x0, s1;
	[sflag:s0] =	ssyncset.done @!p0 $0x0  }
0x27b: {  	[sflag:s0] =	ssyncadd.s32 @!p0 s1  }
0x27c: {  	[bflag:$0x3] =	sbarrier.arrive $0xFFFF  }
0x27d: {  	_ =	shalt  }

</sc_bundles>
